<compile_context>
chip_gen: v7x
topology: tpu7x:2x2x1
jax: 0.10.2.dev20260603
libtpu: 0.0.44.dev20260713+nightly
codegen_flags: <defaults>
</compile_context>

<pallas_src>
import jax
import jax.numpy as jnp
from jax.experimental import pallas as pl
from jax.experimental.pallas import tpu as pltpu
from jax.experimental.pallas import tpu_sc as plsc

VOCAB = 8192
D = 256
BETA = 0.25

M_BLK = 512
N_CHUNK = 2736
NUM_CHUNKS = 3
CPAD = 2816
BIG = 1e30
A_BLK = 512
GATHER_WIN = 128


def _dist_argmin_body(a_ref, f_ref, e_ref, t_ref, idx_ref):
    f2 = (f_ref[...] * 2.0).astype(jnp.bfloat16)
    a = a_ref[...]
    rows = f2.shape[0]
    acc_v = jnp.full((rows, 1), jnp.inf, jnp.float32)
    acc_i = jnp.zeros((rows, 1), jnp.int32)
    lane = jax.lax.broadcasted_iota(jnp.int32, (rows, 128), 1)
    for c in range(NUM_CHUNKS):
        s2 = jax.lax.dot_general(
            f2, e_ref[c], (((1,), (1,)), ((), ())),
            preferred_element_type=jnp.float32)
        t_c = t_ref[c]
        r_val = jnp.full((rows, 128), jnp.inf, jnp.float32)
        r_chunk = jnp.zeros((rows, 128), jnp.int32)
        for k in range(CPAD // 128):
            dk = (a - s2[:, k * 128:(k + 1) * 128]) + t_c[:, k * 128:(k + 1) * 128]
            upd = dk < r_val
            r_val = jnp.where(upd, dk, r_val)
            r_chunk = jnp.where(upd, jnp.int32(k), r_chunk)
        m = jnp.min(r_val, axis=1, keepdims=True)
        cand = jnp.where(r_val == m, r_chunk * 128 + lane + c * N_CHUNK,
                         jnp.int32(VOCAB))
        ic = jnp.min(cand, axis=1, keepdims=True)
        upd2 = m < acc_v
        acc_v = jnp.where(upd2, m.astype(jnp.bfloat16).astype(jnp.float32), acc_v)
        acc_i = jnp.where(upd2, ic, acc_i)
    idx_ref[...] = acc_i[:, 0]


def _assemble_body(f_ref, q_ref, qst_ref, psum_ref, pbad_ref):
    f = f_ref[...]
    q = q_ref[...]
    diff = q - f
    qst = f + diff
    qst_ref[...] = qst
    psum_ref[...] = jnp.sum(diff * diff).reshape(1, 1, 1)
    bad = jnp.any(jnp.isnan(qst) | jnp.isinf(qst))
    pbad_ref[...] = bad.astype(jnp.float32).reshape(1, 1, 1)


def _sc_gather(emb_weight, idx_flat):
    n = idx_flat.shape[0]
    mesh = plsc.VectorSubcoreMesh(core_axis_name="c", subcore_axis_name="s")
    idx2 = idx_flat.reshape(1, n)

    @pl.kernel(out_type=jax.ShapeDtypeStruct((n, D), jnp.float32), mesh=mesh)
    def gather_kernel(e_hbm, i_hbm, o_hbm):
        def body(i_vmem, o_vmem):
            pltpu.sync_copy(e_hbm.at[i_vmem.at[0]], o_vmem)

        pltpu.emit_pipeline(
            body,
            grid=(n // GATHER_WIN,),
            in_specs=[pl.BlockSpec((1, GATHER_WIN), index_map=lambda i: (0, i))],
            out_specs=[pl.BlockSpec((GATHER_WIN, D), index_map=lambda i: (i, 0))],
            core_axis_name=("c", "s"),
            dimension_semantics=(pltpu.PARALLEL,),
        )(i_hbm, o_hbm)

    return gather_kernel(emb_weight, idx2)


def kernel(feats, emb_weight):
    B, L, _ = feats.shape
    flat = feats.reshape(-1, D)
    M = flat.shape[0]

    a = jnp.sum(feats ** 2, axis=2).reshape(M, 1)
    t = jnp.sum(emb_weight ** 2, axis=1).reshape(1, VOCAB)

    emb_bf = emb_weight.astype(jnp.bfloat16)
    ez1 = jnp.zeros((CPAD - N_CHUNK, D), jnp.bfloat16)
    ez2 = jnp.zeros((CPAD - (VOCAB - 2 * N_CHUNK), D), jnp.bfloat16)
    epad = jnp.concatenate(
        [emb_bf[:N_CHUNK], ez1, emb_bf[N_CHUNK:2 * N_CHUNK], ez1,
         emb_bf[2 * N_CHUNK:], ez2], axis=0).reshape(NUM_CHUNKS, CPAD, D)
    tb1 = jnp.full((1, CPAD - N_CHUNK), jnp.float32(BIG))
    tb2 = jnp.full((1, CPAD - (VOCAB - 2 * N_CHUNK)), jnp.float32(BIG))
    tpad = jnp.concatenate(
        [t[:, :N_CHUNK], tb1, t[:, N_CHUNK:2 * N_CHUNK], tb1,
         t[:, 2 * N_CHUNK:], tb2], axis=1).reshape(NUM_CHUNKS, 1, CPAD)

    idx = pl.pallas_call(
        _dist_argmin_body,
        grid=(M // M_BLK,),
        in_specs=[
            pl.BlockSpec((M_BLK, 1), lambda i: (i, 0)),
            pl.BlockSpec((M_BLK, D), lambda i: (i, 0)),
            pl.BlockSpec((NUM_CHUNKS, CPAD, D), lambda i: (0, 0, 0)),
            pl.BlockSpec((NUM_CHUNKS, 1, CPAD), lambda i: (0, 0, 0)),
        ],
        out_specs=pl.BlockSpec((M_BLK,), lambda i: (i,)),
        out_shape=jax.ShapeDtypeStruct((M,), jnp.int32),
    )(a, flat, epad, tpad)

    quant = _sc_gather(emb_weight, idx)

    nt = M // A_BLK
    qst, psum, pbad = pl.pallas_call(
        _assemble_body,
        grid=(nt,),
        in_specs=[
            pl.BlockSpec((A_BLK, D), lambda i: (i, 0)),
            pl.BlockSpec((A_BLK, D), lambda i: (i, 0)),
        ],
        out_specs=[
            pl.BlockSpec((A_BLK, D), lambda i: (i, 0)),
            pl.BlockSpec((1, 1, 1), lambda i: (i, 0, 0)),
            pl.BlockSpec((1, 1, 1), lambda i: (i, 0, 0)),
        ],
        out_shape=[
            jax.ShapeDtypeStruct((M, D), jnp.float32),
            jax.ShapeDtypeStruct((nt, 1, 1), jnp.float32),
            jax.ShapeDtypeStruct((nt, 1, 1), jnp.float32),
        ],
    )(flat, quant)

    bad = jnp.sum(pbad) > 0.0
    mse = jnp.sum(psum) / jnp.float32(M * D)
    vq_loss = mse + BETA * mse
    vq_loss = jnp.where(bad, jnp.float32(0.0), vq_loss)
    quant_out = qst.reshape(B, L, D)
    return (quant_out, idx.reshape(B, L), vq_loss)

# --- scband reference (transcript-rebuilt; emitter-appended) ---
"""Pipeline reference for scband-emavq-1503238553778 (READ-ONLY COPY).

The authoritative reference and input builder live on the scoring server;
editing this copy changes nothing except your own understanding.
"""

import jax, jax.numpy as jnp
import numpy as np

VOCAB_SIZE = 8192
CODE_DIM = 256
BETA = 0.25
INIT_GAIN = 0.02


def setup_inputs(seed: int = 0) -> dict:
    key = jax.random.key(seed)
    k1, k2 = jax.random.split(key)
    feats = jax.random.normal(k1, (16, 576, CODE_DIM), dtype=jnp.float32)
    # trunc_normal_ init with std=init_gain (truncated at +/- 2 std)
    emb_weight = jax.random.truncated_normal(k2, -2.0, 2.0, (VOCAB_SIZE, CODE_DIM), dtype=jnp.float32) * INIT_GAIN
    return {"feats": feats, "emb_weight": emb_weight}


def reference(feats, emb_weight):
    # Eval-mode forward of EMAVQ (no EMA buffer updates).
    B, L, D = feats.shape
    flat = feats.reshape(-1, D)
    # squared euclidean distance: ||x||^2 - 2 x.e^T + ||e||^2
    distance = (
        jnp.sum(flat ** 2, axis=1, keepdims=True)
        - 2.0 * flat @ emb_weight.T
        + jnp.sum(emb_weight ** 2, axis=1)
    )
    idx = jnp.argmin(distance, axis=1)
    quant = jnp.take(emb_weight, idx, axis=0).reshape(B, L, D)
    e_latent_loss = jnp.mean((quant - jax.lax.stop_gradient(feats)) ** 2)
    commit_loss = BETA * jnp.mean((feats - jax.lax.stop_gradient(quant)) ** 2)
    vq_loss = e_latent_loss + commit_loss
    # straight-through estimator
    quant_st = feats + jax.lax.stop_gradient(quant - feats)
    bad = jnp.any(jnp.isnan(quant_st)) | jnp.any(jnp.isinf(quant_st))
    quant_out = jnp.where(bad, feats, quant_st)
    vq_loss = jnp.where(bad, jnp.float32(0.0), vq_loss)
    return (quant_out, idx.reshape(B, L), vq_loss)

if __name__ == "__main__":
    import jax
    _d = setup_inputs()
    print(jax.jit(kernel)(*tuple(_d.values())))

</pallas_src>

<mosaic_0001>
#map = affine_map<(d0, d1) -> (0, 0)>
module attributes {stable_mosaic.version = 14 : i64} {
  func.func @gather_kernel(%arg0: i32, %arg1: i32, %arg2: memref<8192x256xf32, #tpu.memory_space<hbm>>, %arg3: memref<1x9216xi32, #tpu.memory_space<hbm>>, %arg4: memref<9216x256xf32, #tpu.memory_space<hbm>>) attributes {dimension_semantics = [#tpu.dimension_semantics<core_parallel>, #tpu.dimension_semantics<subcore_parallel>], iteration_bounds = array<i64: 2, 16>, scalar_prefetch = 0 : i64, scratch_operands = 0 : i64, tpu.core_type = #tpu.core_type<sc_vector_subcore>, window_params = [{transform_indices = #map}, {transform_indices = #map}, {transform_indices = #map}]} {
    %mul3A = arith.constant 1 : i32
    %mul3A_0 = arith.muli %arg1, %mul3A : i32
    %add3A = arith.constant 0 : i32
    %add3A_1 = arith.addi %add3A, %mul3A_0 : i32
    %mul3A_2 = arith.constant 16 : i32
    %mul3A_3 = arith.muli %arg0, %mul3A_2 : i32
    %add3A_4 = arith.addi %add3A_1, %mul3A_3 : i32
    %lt3A = arith.constant 8 : i32
    %lt3A_5 = arith.cmpi slt, %add3A_4, %lt3A : i32
    %jit3A = arith.constant 3 : i32
    %jit3A_6 = arith.constant 2 : i32
    %select_n3A = arith.select %lt3A_5, %jit3A, %jit3A_6 : i32
    %lt3A_7 = arith.constant 8 : i32
    %lt3A_8 = arith.cmpi slt, %add3A_4, %lt3A_7 : i32
    %mul3A_9 = arith.muli %add3A_4, %select_n3A : i32
    %mul3A_10 = arith.constant 2 : i32
    %mul3A_11 = arith.muli %add3A_4, %mul3A_10 : i32
    %add3A_12 = arith.constant 8 : i32
    %add3A_13 = arith.addi %mul3A_11, %add3A_12 : i32
    %select_n3A_14 = arith.select %lt3A_8, %mul3A_9, %add3A_13 : i32
    %mul3A_15 = arith.constant 1 : i32
    %mul3A_16 = arith.muli %mul3A_15, %select_n3A : i32
    "tpu.region"() ({
      %run_scoped3A = memref.alloca() : memref<2x1x128xi32, #tpu.memory_space<vmem>>
      %run_scoped3A_17 = tpu.sem_alloc : memref<2x!tpu.dma_semaphore, #tpu.memory_space<semaphore_mem>>
      %run_scoped3A_18 = memref.alloca() : memref<2x128x256xf32, #tpu.memory_space<vmem>>
      %run_scoped3A_19 = tpu.sem_alloc : memref<2x!tpu.dma_semaphore, #tpu.memory_space<semaphore_mem>>
      %gt3A = arith.constant 0 : i32
      %gt3A_20 = arith.cmpi sgt, %mul3A_16, %gt3A : i32
      %convert_element_type3A = arith.extui %gt3A_20 : i1 to i32
      %cond3A = arith.constant 0 : i32
      %cond3A_21 = arith.cmpi ne, %convert_element_type3A, %cond3A : i32
      scf.if %cond3A_21 {
        %mul3A_22 = arith.constant 1 : i32
        %mul3A_23 = arith.muli %mul3A_22, %select_n3A : i32
        %sub3A = arith.constant 1 : i32
        %sub3A_24 = arith.subi %mul3A_23, %sub3A : i32
        %eq3A = arith.constant 0 : i32
        %eq3A_25 = arith.cmpi eq, %sub3A_24, %eq3A : i32
        %add3A_26 = arith.constant 0 : i32
        %add3A_27 = arith.addi %add3A_26, %select_n3A_14 : i32
        %select_n3A_28 = arith.constant true
        %select_n3A_29 = arith.constant 0 : i32
        %select_n3A_30 = arith.constant -1 : i32
        %select_n3A_31 = arith.select %select_n3A_28, %select_n3A_30, %select_n3A_29 : i32
        %eq3A_32 = arith.constant -1 : i32
        %eq3A_33 = arith.cmpi eq, %select_n3A_31, %eq3A_32 : i32
        %sub3A_34 = arith.constant 1 : i32
        %sub3A_35 = arith.subi %select_n3A, %sub3A_34 : i32
        %select_n3A_36 = arith.select %eq3A_33, %sub3A_35, %select_n3A_31 : i32
        %add3A_37 = arith.addi %select_n3A_36, %select_n3A_14 : i32
        %select_n3A_38 = arith.constant true
        %select_n3A_39 = arith.constant 0 : i32
        %select_n3A_40 = arith.constant 1 : i32
        %select_n3A_41 = arith.select %select_n3A_38, %select_n3A_40, %select_n3A_39 : i32
        %eq3A_42 = arith.cmpi eq, %select_n3A_41, %select_n3A : i32
        %select_n3A_43 = arith.constant 0 : i32
        %select_n3A_44 = arith.select %eq3A_42, %select_n3A_43, %select_n3A_41 : i32
        %add3A_45 = arith.addi %select_n3A_44, %select_n3A_14 : i32
        %add3A_46 = arith.constant 1 : i32
        %add3A_47 = arith.addi %select_n3A_44, %add3A_46 : i32
        %select_n3A_48 = arith.constant true
        %select_n3A_49 = arith.select %select_n3A_48, %add3A_47, %select_n3A_44 : i32
        %eq3A_50 = arith.cmpi eq, %select_n3A_49, %select_n3A : i32
        %select_n3A_51 = arith.constant 0 : i32
        %select_n3A_52 = arith.select %eq3A_50, %select_n3A_51, %select_n3A_49 : i32
        %add3A_53 = arith.addi %select_n3A_52, %select_n3A_14 : i32
        "tpu.trace_start"() <{level = 10 : i32, message = "ep_initialize_0"}> : () -> ()
        %rem3A = arith.constant 0 : i32
        %rem3A_54 = arith.constant 2 : i32
        %rem3A_55 = arith.remui %rem3A, %rem3A_54 : i32
        %mul3A_56 = arith.constant 128 : i32
        %mul3A_57 = arith.muli %mul3A_56, %add3A_27 : i32
        %dma_start3A = arith.constant 0 : i32
        %dma_start3A_58 = arith.constant 0 : i32
        %dma_start3A_59 = tpu.memref_slice %run_scoped3A[%rem3A_55, %dma_start3A, %dma_start3A_58] : memref<2x1x128xi32, #tpu.memory_space<vmem>> -> memref<1x1x128xi32, #tpu.memory_space<vmem>>
        %dma_start3A_60 = tpu.memref_squeeze %dma_start3A_59 : memref<1x1x128xi32, #tpu.memory_space<vmem>> -> memref<1x128xi32, #tpu.memory_space<vmem>>
        %dma_start3A_61 = arith.constant 0 : i32
        %dma_start3A_62 = tpu.memref_slice %arg3[%dma_start3A_61, %mul3A_57] : memref<1x9216xi32, #tpu.memory_space<hbm>> -> memref<1x128xi32, #tpu.memory_space<hbm>>
        %dma_start3A_63 = tpu.memref_slice %run_scoped3A_17[%rem3A_55] : memref<2x!tpu.dma_semaphore, #tpu.memory_space<semaphore_mem>> -> memref<1x!tpu.dma_semaphore, #tpu.memory_space<semaphore_mem>>
        %dma_start3A_64 = tpu.memref_squeeze %dma_start3A_63 : memref<1x!tpu.dma_semaphore, #tpu.memory_space<semaphore_mem>> -> memref<!tpu.dma_semaphore, #tpu.memory_space<semaphore_mem>>
        %dma_start3A_65 = arith.constant 0 : i32
        %dma_start3A_66 = arith.constant 0 : i32
        %dma_start3A_67 = tpu.memref_slice %run_scoped3A[%rem3A_55, %dma_start3A_65, %dma_start3A_66] : memref<2x1x128xi32, #tpu.memory_space<vmem>> -> memref<1x1x128xi32, #tpu.memory_space<vmem>>
        %dma_start3A_68 = tpu.memref_squeeze %dma_start3A_67 : memref<1x1x128xi32, #tpu.memory_space<vmem>> -> memref<1x128xi32, #tpu.memory_space<vmem>>
        %dma_start3A_69 = arith.constant 0 : i32
        %dma_start3A_70 = tpu.memref_slice %arg3[%dma_start3A_69, %mul3A_57] : memref<1x9216xi32, #tpu.memory_space<hbm>> -> memref<1x128xi32, #tpu.memory_space<hbm>>
        tpu.enqueue_dma source(%dma_start3A_70 : memref<1x128xi32, #tpu.memory_space<hbm>>) target(%dma_start3A_68 : memref<1x128xi32, #tpu.memory_space<vmem>>) target_semaphore(%dma_start3A_64 : memref<!tpu.dma_semaphore, #tpu.memory_space<semaphore_mem>>)
        %add3A_71 = arith.constant 0 : i32
        %add3A_72 = arith.constant 1 : i32
        %add3A_73 = arith.addi %add3A_71, %add3A_72 : i32
        %select_n3A_74 = arith.constant true
        %select_n3A_75 = arith.constant 0 : i32
        %select_n3A_76 = arith.select %select_n3A_74, %add3A_73, %select_n3A_75 : i32
        %while3A = arith.constant 0 : i32
        %while3A_77 = arith.constant 0 : i32
        %while3A_78 = arith.constant 0 : i32
        %while3A_79 = arith.constant 0 : i32
        %while3A_80 = arith.constant 0 : i32
        "tpu.trace_stop"() : () -> ()
        %while3A_81 = arith.subi %mul3A_16, %while3A : i32
        %while3A_82 = arith.addi %while3A, %while3A_81 : i32
        %while3A_83 = arith.constant 1 : i32
        %while3A_84 = arith.divsi %while3A_81, %while3A_83 : i32
        %while3A_85 = arith.muli %while3A_84, %while3A_83 : i32
        %while3A_86 = arith.addi %while3A, %while3A_85 : i32
        %while3A_87 = arith.constant 1 : i32
        %while3A_88:5 = scf.for %while3A_142 = %while3A to %while3A_86 step %while3A_87 iter_args(%while3A_143 = %select_n3A_76, %while3A_144 = %while3A_77, %while3A_145 = %while3A_78, %while3A_146 = %while3A_79, %while3A_147 = %while3A_80) -> (i32, i32, i32, i32, i32)  : i32 {
          %mul3A_148 = arith.constant 1 : i32
          %mul3A_149 = arith.muli %mul3A_148, %select_n3A : i32
          %eq3A_150 = arith.constant 0 : i32
          %eq3A_151 = arith.cmpi eq, %while3A_142, %eq3A_150 : i32
          %sub3A_152 = arith.constant 1 : i32
          %sub3A_153 = arith.subi %mul3A_149, %sub3A_152 : i32
          %eq3A_154 = arith.cmpi eq, %while3A_142, %sub3A_153 : i32
          %add3A_155 = arith.addi %while3A_147, %select_n3A_14 : i32
          %sub3A_156 = arith.constant 1 : i32
          %sub3A_157 = arith.subi %while3A_147, %sub3A_156 : i32
          %select_n3A_158 = arith.constant true
          %select_n3A_159 = arith.select %select_n3A_158, %sub3A_157, %while3A_147 : i32
          %eq3A_160 = arith.constant -1 : i32
          %eq3A_161 = arith.cmpi eq, %select_n3A_159, %eq3A_160 : i32
          %sub3A_162 = arith.constant 1 : i32
          %sub3A_163 = arith.subi %select_n3A, %sub3A_162 : i32
          %select_n3A_164 = arith.select %eq3A_161, %sub3A_163, %select_n3A_159 : i32
          %add3A_165 = arith.addi %select_n3A_164, %select_n3A_14 : i32
          %add3A_166 = arith.constant 1 : i32
          %add3A_167 = arith.addi %while3A_147, %add3A_166 : i32
          %select_n3A_168 = arith.constant true
          %select_n3A_169 = arith.select %select_n3A_168, %add3A_167, %while3A_147 : i32
          %eq3A_170 = arith.cmpi eq, %select_n3A_169, %select_n3A : i32
          %select_n3A_171 = arith.constant 0 : i32
          %select_n3A_172 = arith.select %eq3A_170, %select_n3A_171, %select_n3A_169 : i32
          %add3A_173 = arith.addi %select_n3A_172, %select_n3A_14 : i32
          %add3A_174 = arith.constant 1 : i32
          %add3A_175 = arith.addi %select_n3A_172, %add3A_174 : i32
          %select_n3A_176 = arith.constant true
          %select_n3A_177 = arith.select %select_n3A_176, %add3A_175, %select_n3A_172 : i32
          %eq3A_178 = arith.cmpi eq, %select_n3A_177, %select_n3A : i32
          %select_n3A_179 = arith.constant 0 : i32
          %select_n3A_180 = arith.select %eq3A_178, %select_n3A_179, %select_n3A_177 : i32
          %add3A_181 = arith.addi %select_n3A_180, %select_n3A_14 : i32
          %ne3A = arith.cmpi ne, %add3A_155, %add3A_173 : i32
          %or3A = arith.constant false
          %or3A_182 = arith.ori %or3A, %ne3A : i1
          %sub3A_183 = arith.constant 2 : i32
          %sub3A_184 = arith.subi %mul3A_149, %sub3A_183 : i32
          %add3A_185 = arith.constant 1 : i32
          %add3A_186 = arith.addi %sub3A_184, %add3A_185 : i32
          %ge3A = arith.cmpi sge, %while3A_142, %add3A_186 : i32
          %not3A = arith.constant true
          %not3A_187 = arith.xori %ge3A, %not3A : i1
          %and3A = arith.andi %or3A_182, %not3A_187 : i1
          %convert_element_type3A_188 = arith.extui %and3A : i1 to i32
          %cond3A_189 = arith.constant 0 : i32
          %cond3A_190 = arith.cmpi ne, %convert_element_type3A_188, %cond3A_189 : i32
          scf.if %cond3A_190 {
            "tpu.trace_start"() <{level = 10 : i32, message = "ep_copy_in"}> : () -> ()
            %rem3A_294 = arith.constant 2 : i32
            %rem3A_295 = arith.remui %while3A_143, %rem3A_294 : i32
            %mul3A_296 = arith.constant 128 : i32
            %mul3A_297 = arith.muli %mul3A_296, %add3A_173 : i32
            %dma_start3A_298 = arith.constant 0 : i32
            %dma_start3A_299 = arith.constant 0 : i32
            %dma_start3A_300 = tpu.memref_slice %run_scoped3A[%rem3A_295, %dma_start3A_298, %dma_start3A_299] : memref<2x1x128xi32, #tpu.memory_space<vmem>> -> memref<1x1x128xi32, #tpu.memory_space<vmem>>
            %dma_start3A_301 = tpu.memref_squeeze %dma_start3A_300 : memref<1x1x128xi32, #tpu.memory_space<vmem>> -> memref<1x128xi32, #tpu.memory_space<vmem>>
            %dma_start3A_302 = arith.constant 0 : i32
            %dma_start3A_303 = tpu.memref_slice %arg3[%dma_start3A_302, %mul3A_297] : memref<1x9216xi32, #tpu.memory_space<hbm>> -> memref<1x128xi32, #tpu.memory_space<hbm>>
            %dma_start3A_304 = tpu.memref_slice %run_scoped3A_17[%rem3A_295] : memref<2x!tpu.dma_semaphore, #tpu.memory_space<semaphore_mem>> -> memref<1x!tpu.dma_semaphore, #tpu.memory_space<semaphore_mem>>
            %dma_start3A_305 = tpu.memref_squeeze %dma_start3A_304 : memref<1x!tpu.dma_semaphore, #tpu.memory_space<semaphore_mem>> -> memref<!tpu.dma_semaphore, #tpu.memory_space<semaphore_mem>>
            %dma_start3A_306 = arith.constant 0 : i32
            %dma_start3A_307 = arith.constant 0 : i32
            %dma_start3A_308 = tpu.memref_slice %run_scoped3A[%rem3A_295, %dma_start3A_306, %dma_start3A_307] : memref<2x1x128xi32, #tpu.memory_space<vmem>> -> memref<1x1x128xi32, #tpu.memory_space<vmem>>
            %dma_start3A_309 = tpu.memref_squeeze %dma_start3A_308 : memref<1x1x128xi32, #tpu.memory_space<vmem>> -> memref<1x128xi32, #tpu.memory_space<vmem>>
            %dma_start3A_310 = arith.constant 0 : i32
            %dma_start3A_311 = tpu.memref_slice %arg3[%dma_start3A_310, %mul3A_297] : memref<1x9216xi32, #tpu.memory_space<hbm>> -> memref<1x128xi32, #tpu.memory_space<hbm>>
            tpu.enqueue_dma source(%dma_start3A_311 : memref<1x128xi32, #tpu.memory_space<hbm>>) target(%dma_start3A_309 : memref<1x128xi32, #tpu.memory_space<vmem>>) target_semaphore(%dma_start3A_305 : memref<!tpu.dma_semaphore, #tpu.memory_space<semaphore_mem>>)
            "tpu.trace_stop"() : () -> ()
          } else {
          }
          %and3A_191 = arith.constant true
          %and3A_192 = arith.andi %and3A, %and3A_191 : i1
          %add3A_193 = arith.constant 1 : i32
          %add3A_194 = arith.addi %while3A_143, %add3A_193 : i32
          %select_n3A_195 = arith.select %and3A_192, %add3A_194, %while3A_143 : i32
          %ne3A_196 = arith.cmpi ne, %add3A_155, %add3A_173 : i32
          %or3A_197 = arith.constant false
          %or3A_198 = arith.ori %or3A_197, %ne3A_196 : i1
          %or3A_199 = arith.constant false
          %or3A_200 = arith.ori %or3A_198, %or3A_199 : i1
          %sub3A_201 = arith.constant 2 : i32
          %sub3A_202 = arith.subi %mul3A_149, %sub3A_201 : i32
          %add3A_203 = arith.constant 1 : i32
          %add3A_204 = arith.addi %sub3A_202, %add3A_203 : i32
          %ge3A_205 = arith.cmpi sge, %while3A_142, %add3A_204 : i32
          %not3A_206 = arith.constant true
          %not3A_207 = arith.xori %ge3A_205, %not3A_206 : i1
          %and3A_208 = arith.andi %or3A_200, %not3A_207 : i1
          %ne3A_209 = arith.cmpi ne, %add3A_155, %add3A_165 : i32
          %or3A_210 = arith.constant false
          %or3A_211 = arith.ori %or3A_210, %ne3A_209 : i1
          %or3A_212 = arith.ori %or3A_211, %eq3A_151 : i1
          %convert_element_type3A_213 = arith.extui %or3A_212 : i1 to i32
          %cond3A_214 = arith.constant 0 : i32
          %cond3A_215 = arith.cmpi ne, %convert_element_type3A_213, %cond3A_214 : i32
          scf.if %cond3A_215 {
            "tpu.trace_start"() <{level = 10 : i32, message = "ep_wait_in"}> : () -> ()
            %mul3A_294 = arith.constant 128 : i32
            %mul3A_295 = arith.muli %mul3A_294, %add3A_155 : i32
            %rem3A_296 = arith.constant 2 : i32
            %rem3A_297 = arith.remui %while3A_144, %rem3A_296 : i32
            %dma_wait3A = arith.constant 0 : i32
            %dma_wait3A_298 = arith.constant 0 : i32
            %dma_wait3A_299 = tpu.memref_slice %run_scoped3A[%rem3A_297, %dma_wait3A, %dma_wait3A_298] : memref<2x1x128xi32, #tpu.memory_space<vmem>> -> memref<1x1x128xi32, #tpu.memory_space<vmem>>
            %dma_wait3A_300 = tpu.memref_squeeze %dma_wait3A_299 : memref<1x1x128xi32, #tpu.memory_space<vmem>> -> memref<1x128xi32, #tpu.memory_space<vmem>>
            %dma_wait3A_301 = arith.constant 0 : i32
            %dma_wait3A_302 = tpu.memref_slice %arg3[%dma_wait3A_301, %mul3A_295] : memref<1x9216xi32, #tpu.memory_space<hbm>> -> memref<1x128xi32, #tpu.memory_space<hbm>>
            %dma_wait3A_303 = tpu.memref_slice %run_scoped3A_17[%rem3A_297] : memref<2x!tpu.dma_semaphore, #tpu.memory_space<semaphore_mem>> -> memref<1x!tpu.dma_semaphore, #tpu.memory_space<semaphore_mem>>
            %dma_wait3A_304 = tpu.memref_squeeze %dma_wait3A_303 : memref<1x!tpu.dma_semaphore, #tpu.memory_space<semaphore_mem>> -> memref<!tpu.dma_semaphore, #tpu.memory_space<semaphore_mem>>
            %dma_wait3A_305 = arith.constant 0 : i32
            %dma_wait3A_306 = arith.constant 0 : i32
            %dma_wait3A_307 = tpu.memref_slice %run_scoped3A[%rem3A_297, %dma_wait3A_305, %dma_wait3A_306] : memref<2x1x128xi32, #tpu.memory_space<vmem>> -> memref<1x1x128xi32, #tpu.memory_space<vmem>>
            %dma_wait3A_308 = tpu.memref_squeeze %dma_wait3A_307 : memref<1x1x128xi32, #tpu.memory_space<vmem>> -> memref<1x128xi32, #tpu.memory_space<vmem>>
            %dma_wait3A_309 = arith.constant 0 : i32
            %dma_wait3A_310 = tpu.memref_slice %arg3[%dma_wait3A_309, %mul3A_295] : memref<1x9216xi32, #tpu.memory_space<hbm>> -> memref<1x128xi32, #tpu.memory_space<hbm>>
            tpu.wait_dma2 semaphore(%dma_wait3A_304 : memref<!tpu.dma_semaphore, #tpu.memory_space<semaphore_mem>>) src(%dma_wait3A_310 : memref<1x128xi32, #tpu.memory_space<hbm>>) dst(%dma_wait3A_308 : memref<1x128xi32, #tpu.memory_space<vmem>>)
            "tpu.trace_stop"() : () -> ()
          } else {
          }
          %ne3A_216 = arith.cmpi ne, %add3A_155, %add3A_165 : i32
          %or3A_217 = arith.constant false
          %or3A_218 = arith.ori %or3A_217, %ne3A_216 : i1
          %or3A_219 = arith.constant false
          %or3A_220 = arith.ori %or3A_218, %or3A_219 : i1
          %or3A_221 = arith.ori %or3A_220, %eq3A_151 : i1
          %convert_element_type3A_222 = arith.extui %or3A_221 : i1 to i32
          %cond3A_223 = arith.constant 0 : i32
          %cond3A_224 = arith.cmpi ne, %convert_element_type3A_222, %cond3A_223 : i32
          scf.if %cond3A_224 {
          } else {
          }
          %rem3A_225 = arith.constant 2 : i32
          %rem3A_226 = arith.remui %while3A_144, %rem3A_225 : i32
          %rem3A_227 = arith.constant 2 : i32
          %rem3A_228 = arith.remui %while3A_145, %rem3A_227 : i32
          %run_scoped3A_229 = arith.constant 0 : i32
          "tpu.trace_start"() <{level = 10 : i32, message = "ep_run_kernel"}> : () -> ()
          "tpu.region"() ({
            %run_scoped3A_294 = tpu.sem_alloc : memref<!tpu.dma_semaphore, #tpu.memory_space<semaphore_mem>>
            %dma_start3A_295 = arith.constant 0 : i32
            %dma_start3A_296 = arith.constant 0 : i32
            %dma_start3A_297 = tpu.memref_slice %run_scoped3A_18[%rem3A_228, %dma_start3A_295, %dma_start3A_296] : memref<2x128x256xf32, #tpu.memory_space<vmem>> -> memref<1x128x256xf32, #tpu.memory_space<vmem>>
            %dma_start3A_298 = tpu.memref_squeeze %dma_start3A_297 : memref<1x128x256xf32, #tpu.memory_space<vmem>> -> memref<128x256xf32, #tpu.memory_space<vmem>>
            %dma_start3A_299 = arith.constant 0 : i32
            %dma_start3A_300 = arith.constant 0 : i32
            %dma_start3A_301 = tpu.memref_slice %run_scoped3A[%rem3A_226, %dma_start3A_299, %dma_start3A_300] : memref<2x1x128xi32, #tpu.memory_space<vmem>> -> memref<1x1x128xi32, #tpu.memory_space<vmem>>
            %dma_start3A_302 = tpu.memref_squeeze %dma_start3A_301 : memref<1x1x128xi32, #tpu.memory_space<vmem>> -> memref<1x128xi32, #tpu.memory_space<vmem>>
            %dma_start3A_303 = arith.constant 0 : i32
            %dma_start3A_304 = tpu.memref_slice %dma_start3A_302[%run_scoped3A_229, %dma_start3A_303] : memref<1x128xi32, #tpu.memory_space<vmem>> -> memref<1x128xi32, #tpu.memory_space<vmem>>
            %dma_start3A_305 = tpu.memref_squeeze %dma_start3A_304 : memref<1x128xi32, #tpu.memory_space<vmem>> -> memref<128xi32, #tpu.memory_space<vmem>>
            %dma_start3A_306 = arith.constant 0 : i32
            %dma_start3A_307 = arith.constant 0 : i32
            %dma_start3A_308 = tpu.memref_slice %arg2[%dma_start3A_306, %dma_start3A_307] : memref<8192x256xf32, #tpu.memory_space<hbm>> -> memref<8192x256xf32, #tpu.memory_space<hbm>>
            tpu.enqueue_indirect_dma source(%dma_start3A_308 : memref<8192x256xf32, #tpu.memory_space<hbm>>) target(%dma_start3A_298 : memref<128x256xf32, #tpu.memory_space<vmem>>) offsets(%dma_start3A_305 : memref<128xi32, #tpu.memory_space<vmem>>) semaphore(%run_scoped3A_294 : memref<!tpu.dma_semaphore, #tpu.memory_space<semaphore_mem>>)
            %dma_wait3A = arith.constant 0 : i32
            %dma_wait3A_309 = arith.constant 0 : i32
            %dma_wait3A_310 = tpu.memref_slice %run_scoped3A_18[%rem3A_228, %dma_wait3A, %dma_wait3A_309] : memref<2x128x256xf32, #tpu.memory_space<vmem>> -> memref<1x128x256xf32, #tpu.memory_space<vmem>>
            %dma_wait3A_311 = tpu.memref_squeeze %dma_wait3A_310 : memref<1x128x256xf32, #tpu.memory_space<vmem>> -> memref<128x256xf32, #tpu.memory_space<vmem>>
            %dma_wait3A_312 = arith.constant 0 : i32
            %dma_wait3A_313 = arith.constant 0 : i32
            %dma_wait3A_314 = tpu.memref_slice %run_scoped3A[%rem3A_226, %dma_wait3A_312, %dma_wait3A_313] : memref<2x1x128xi32, #tpu.memory_space<vmem>> -> memref<1x1x128xi32, #tpu.memory_space<vmem>>
            %dma_wait3A_315 = tpu.memref_squeeze %dma_wait3A_314 : memref<1x1x128xi32, #tpu.memory_space<vmem>> -> memref<1x128xi32, #tpu.memory_space<vmem>>
            %dma_wait3A_316 = arith.constant 0 : i32
            %dma_wait3A_317 = tpu.memref_slice %dma_wait3A_315[%run_scoped3A_229, %dma_wait3A_316] : memref<1x128xi32, #tpu.memory_space<vmem>> -> memref<1x128xi32, #tpu.memory_space<vmem>>
            %dma_wait3A_318 = tpu.memref_squeeze %dma_wait3A_317 : memref<1x128xi32, #tpu.memory_space<vmem>> -> memref<128xi32, #tpu.memory_space<vmem>>
            %dma_wait3A_319 = arith.constant 0 : i32
            %dma_wait3A_320 = arith.constant 0 : i32
            %dma_wait3A_321 = tpu.memref_slice %arg2[%dma_wait3A_319, %dma_wait3A_320] : memref<8192x256xf32, #tpu.memory_space<hbm>> -> memref<8192x256xf32, #tpu.memory_space<hbm>>
            tpu.wait_indirect_dma semaphore(%run_scoped3A_294 : memref<!tpu.dma_semaphore, #tpu.memory_space<semaphore_mem>>) src(%dma_wait3A_321 : memref<8192x256xf32, #tpu.memory_space<hbm>>) dst(%dma_wait3A_311 : memref<128x256xf32, #tpu.memory_space<vmem>>)
            tpu.yield
          }) : () -> ()
          "tpu.trace_stop"() : () -> ()
          %ne3A_230 = arith.cmpi ne, %add3A_155, %add3A_173 : i32
          %or3A_231 = arith.constant false
          %or3A_232 = arith.ori %or3A_231, %ne3A_230 : i1
          %or3A_233 = arith.ori %or3A_232, %eq3A_154 : i1
          %convert_element_type3A_234 = arith.extui %or3A_233 : i1 to i32
          %cond3A_235 = arith.constant 0 : i32
          %cond3A_236 = arith.cmpi ne, %convert_element_type3A_234, %cond3A_235 : i32
          scf.if %cond3A_236 {
          } else {
          }
          %and3A_237 = arith.constant false
          %and3A_238 = arith.andi %or3A_233, %and3A_237 : i1
          %ne3A_239 = arith.cmpi ne, %add3A_155, %add3A_173 : i32
          %or3A_240 = arith.constant false
          %or3A_241 = arith.ori %or3A_240, %ne3A_239 : i1
          %or3A_242 = arith.constant false
          %or3A_243 = arith.ori %or3A_241, %or3A_242 : i1
          %or3A_244 = arith.ori %or3A_243, %eq3A_154 : i1
          %convert_element_type3A_245 = arith.extui %or3A_244 : i1 to i32
          %cond3A_246 = arith.constant 0 : i32
          %cond3A_247 = arith.cmpi ne, %convert_element_type3A_245, %cond3A_246 : i32
          scf.if %cond3A_247 {
            "tpu.trace_start"() <{level = 10 : i32, message = "ep_copy_out"}> : () -> ()
            %rem3A_294 = arith.constant 2 : i32
            %rem3A_295 = arith.remui %while3A_145, %rem3A_294 : i32
            %mul3A_296 = arith.constant 128 : i32
            %mul3A_297 = arith.muli %mul3A_296, %add3A_155 : i32
            %dma_start3A_298 = arith.constant 0 : i32
            %dma_start3A_299 = arith.constant 0 : i32
            %dma_start3A_300 = tpu.memref_slice %run_scoped3A_18[%rem3A_295, %dma_start3A_298, %dma_start3A_299] : memref<2x128x256xf32, #tpu.memory_space<vmem>> -> memref<1x128x256xf32, #tpu.memory_space<vmem>>
            %dma_start3A_301 = tpu.memref_squeeze %dma_start3A_300 : memref<1x128x256xf32, #tpu.memory_space<vmem>> -> memref<128x256xf32, #tpu.memory_space<vmem>>
            %dma_start3A_302 = arith.constant 0 : i32
            %dma_start3A_303 = tpu.memref_slice %arg4[%mul3A_297, %dma_start3A_302] : memref<9216x256xf32, #tpu.memory_space<hbm>> -> memref<128x256xf32, #tpu.memory_space<hbm>>
            %dma_start3A_304 = tpu.memref_slice %run_scoped3A_19[%rem3A_295] : memref<2x!tpu.dma_semaphore, #tpu.memory_space<semaphore_mem>> -> memref<1x!tpu.dma_semaphore, #tpu.memory_space<semaphore_mem>>
            %dma_start3A_305 = tpu.memref_squeeze %dma_start3A_304 : memref<1x!tpu.dma_semaphore, #tpu.memory_space<semaphore_mem>> -> memref<!tpu.dma_semaphore, #tpu.memory_space<semaphore_mem>>
            %dma_start3A_306 = arith.constant 0 : i32
            %dma_start3A_307 = tpu.memref_slice %arg4[%mul3A_297, %dma_start3A_306] : memref<9216x256xf32, #tpu.memory_space<hbm>> -> memref<128x256xf32, #tpu.memory_space<hbm>>
            %dma_start3A_308 = arith.constant 0 : i32
            %dma_start3A_309 = arith.constant 0 : i32
            %dma_start3A_310 = tpu.memref_slice %run_scoped3A_18[%rem3A_295, %dma_start3A_308, %dma_start3A_309] : memref<2x128x256xf32, #tpu.memory_space<vmem>> -> memref<1x128x256xf32, #tpu.memory_space<vmem>>
            %dma_start3A_311 = tpu.memref_squeeze %dma_start3A_310 : memref<1x128x256xf32, #tpu.memory_space<vmem>> -> memref<128x256xf32, #tpu.memory_space<vmem>>
            tpu.enqueue_dma source(%dma_start3A_311 : memref<128x256xf32, #tpu.memory_space<vmem>>) target(%dma_start3A_307 : memref<128x256xf32, #tpu.memory_space<hbm>>) target_semaphore(%dma_start3A_305 : memref<!tpu.dma_semaphore, #tpu.memory_space<semaphore_mem>>)
            "tpu.trace_stop"() : () -> ()
          } else {
          }
          %and3A_248 = arith.constant true
          %and3A_249 = arith.andi %or3A_244, %and3A_248 : i1
          %add3A_250 = arith.constant 1 : i32
          %add3A_251 = arith.addi %while3A_145, %add3A_250 : i32
          %select_n3A_252 = arith.select %and3A_249, %add3A_251, %while3A_145 : i32
          %ne3A_253 = arith.cmpi ne, %add3A_155, %add3A_165 : i32
          %or3A_254 = arith.constant false
          %or3A_255 = arith.ori %or3A_254, %ne3A_253 : i1
          %not3A_256 = arith.constant true
          %not3A_257 = arith.xori %eq3A_151, %not3A_256 : i1
          %and3A_258 = arith.andi %or3A_255, %not3A_257 : i1
          %convert_element_type3A_259 = arith.extui %and3A_258 : i1 to i32
          %cond3A_260 = arith.constant 0 : i32
          %cond3A_261 = arith.cmpi ne, %convert_element_type3A_259, %cond3A_260 : i32
          scf.if %cond3A_261 {
          } else {
          }
          %and3A_262 = arith.constant false
          %and3A_263 = arith.andi %and3A_258, %and3A_262 : i1
          %ne3A_264 = arith.cmpi ne, %add3A_155, %add3A_165 : i32
          %or3A_265 = arith.constant false
          %or3A_266 = arith.ori %or3A_265, %ne3A_264 : i1
          %or3A_267 = arith.constant false
          %or3A_268 = arith.ori %or3A_266, %or3A_267 : i1
          %not3A_269 = arith.constant true
          %not3A_270 = arith.xori %eq3A_151, %not3A_269 : i1
          %and3A_271 = arith.andi %or3A_268, %not3A_270 : i1
          %convert_element_type3A_272 = arith.extui %and3A_271 : i1 to i32
          %cond3A_273 = arith.constant 0 : i32
          %cond3A_274 = arith.cmpi ne, %convert_element_type3A_272, %cond3A_273 : i32
          scf.if %cond3A_274 {
            "tpu.trace_start"() <{level = 10 : i32, message = "ep_wait_out"}> : () -> ()
            %rem3A_294 = arith.constant 2 : i32
            %rem3A_295 = arith.remui %while3A_146, %rem3A_294 : i32
            %mul3A_296 = arith.constant 128 : i32
            %mul3A_297 = arith.muli %mul3A_296, %add3A_165 : i32
            %dma_wait3A = arith.constant 0 : i32
            %dma_wait3A_298 = arith.constant 0 : i32
            %dma_wait3A_299 = tpu.memref_slice %run_scoped3A_18[%rem3A_295, %dma_wait3A, %dma_wait3A_298] : memref<2x128x256xf32, #tpu.memory_space<vmem>> -> memref<1x128x256xf32, #tpu.memory_space<vmem>>
            %dma_wait3A_300 = tpu.memref_squeeze %dma_wait3A_299 : memref<1x128x256xf32, #tpu.memory_space<vmem>> -> memref<128x256xf32, #tpu.memory_space<vmem>>
            %dma_wait3A_301 = arith.constant 0 : i32
            %dma_wait3A_302 = tpu.memref_slice %arg4[%mul3A_297, %dma_wait3A_301] : memref<9216x256xf32, #tpu.memory_space<hbm>> -> memref<128x256xf32, #tpu.memory_space<hbm>>
            %dma_wait3A_303 = tpu.memref_slice %run_scoped3A_19[%rem3A_295] : memref<2x!tpu.dma_semaphore, #tpu.memory_space<semaphore_mem>> -> memref<1x!tpu.dma_semaphore, #tpu.memory_space<semaphore_mem>>
            %dma_wait3A_304 = tpu.memref_squeeze %dma_wait3A_303 : memref<1x!tpu.dma_semaphore, #tpu.memory_space<semaphore_mem>> -> memref<!tpu.dma_semaphore, #tpu.memory_space<semaphore_mem>>
            %dma_wait3A_305 = arith.constant 0 : i32
            %dma_wait3A_306 = tpu.memref_slice %arg4[%mul3A_297, %dma_wait3A_305] : memref<9216x256xf32, #tpu.memory_space<hbm>> -> memref<128x256xf32, #tpu.memory_space<hbm>>
            %dma_wait3A_307 = arith.constant 0 : i32
            %dma_wait3A_308 = arith.constant 0 : i32
            %dma_wait3A_309 = tpu.memref_slice %run_scoped3A_18[%rem3A_295, %dma_wait3A_307, %dma_wait3A_308] : memref<2x128x256xf32, #tpu.memory_space<vmem>> -> memref<1x128x256xf32, #tpu.memory_space<vmem>>
            %dma_wait3A_310 = tpu.memref_squeeze %dma_wait3A_309 : memref<1x128x256xf32, #tpu.memory_space<vmem>> -> memref<128x256xf32, #tpu.memory_space<vmem>>
            tpu.wait_dma2 semaphore(%dma_wait3A_304 : memref<!tpu.dma_semaphore, #tpu.memory_space<semaphore_mem>>) src(%dma_wait3A_310 : memref<128x256xf32, #tpu.memory_space<vmem>>) dst(%dma_wait3A_306 : memref<128x256xf32, #tpu.memory_space<hbm>>)
            "tpu.trace_stop"() : () -> ()
          } else {
          }
          %and3A_275 = arith.constant true
          %and3A_276 = arith.andi %and3A_271, %and3A_275 : i1
          %add3A_277 = arith.constant 1 : i32
          %add3A_278 = arith.addi %while3A_146, %add3A_277 : i32
          %select_n3A_279 = arith.select %and3A_276, %add3A_278, %while3A_146 : i32
          %ne3A_280 = arith.cmpi ne, %add3A_155, %add3A_173 : i32
          %or3A_281 = arith.constant false
          %or3A_282 = arith.ori %or3A_281, %ne3A_280 : i1
          %or3A_283 = arith.ori %or3A_282, %eq3A_154 : i1
          %add3A_284 = arith.constant 1 : i32
          %add3A_285 = arith.addi %while3A_144, %add3A_284 : i32
          %select_n3A_286 = arith.select %or3A_283, %add3A_285, %while3A_144 : i32
          %add3A_287 = arith.constant 1 : i32
          %add3A_288 = arith.addi %while3A_147, %add3A_287 : i32
          %select_n3A_289 = arith.constant true
          %select_n3A_290 = arith.select %select_n3A_289, %add3A_288, %while3A_147 : i32
          %eq3A_291 = arith.cmpi eq, %select_n3A_290, %select_n3A : i32
          %select_n3A_292 = arith.constant 0 : i32
          %select_n3A_293 = arith.select %eq3A_291, %select_n3A_292, %select_n3A_290 : i32
          scf.yield %select_n3A_195, %select_n3A_286, %select_n3A_252, %select_n3A_279, %select_n3A_293 : i32, i32, i32, i32, i32
        }
        %while3A_89 = arith.constant 1 : i32
        %while3A_90:5 = scf.for %while3A_142 = %while3A_86 to %while3A_82 step %while3A_89 iter_args(%while3A_143 = %while3A_88#0, %while3A_144 = %while3A_88#1, %while3A_145 = %while3A_88#2, %while3A_146 = %while3A_88#3, %while3A_147 = %while3A_88#4) -> (i32, i32, i32, i32, i32)  : i32 {
          %mul3A_148 = arith.constant 1 : i32
          %mul3A_149 = arith.muli %mul3A_148, %select_n3A : i32
          %eq3A_150 = arith.constant 0 : i32
          %eq3A_151 = arith.cmpi eq, %while3A_142, %eq3A_150 : i32
          %sub3A_152 = arith.constant 1 : i32
          %sub3A_153 = arith.subi %mul3A_149, %sub3A_152 : i32
          %eq3A_154 = arith.cmpi eq, %while3A_142, %sub3A_153 : i32
          %add3A_155 = arith.addi %while3A_147, %select_n3A_14 : i32
          %sub3A_156 = arith.constant 1 : i32
          %sub3A_157 = arith.subi %while3A_147, %sub3A_156 : i32
          %select_n3A_158 = arith.constant true
          %select_n3A_159 = arith.select %select_n3A_158, %sub3A_157, %while3A_147 : i32
          %eq3A_160 = arith.constant -1 : i32
          %eq3A_161 = arith.cmpi eq, %select_n3A_159, %eq3A_160 : i32
          %sub3A_162 = arith.constant 1 : i32
          %sub3A_163 = arith.subi %select_n3A, %sub3A_162 : i32
          %select_n3A_164 = arith.select %eq3A_161, %sub3A_163, %select_n3A_159 : i32
          %add3A_165 = arith.addi %select_n3A_164, %select_n3A_14 : i32
          %add3A_166 = arith.constant 1 : i32
          %add3A_167 = arith.addi %while3A_147, %add3A_166 : i32
          %select_n3A_168 = arith.constant true
          %select_n3A_169 = arith.select %select_n3A_168, %add3A_167, %while3A_147 : i32
          %eq3A_170 = arith.cmpi eq, %select_n3A_169, %select_n3A : i32
          %select_n3A_171 = arith.constant 0 : i32
          %select_n3A_172 = arith.select %eq3A_170, %select_n3A_171, %select_n3A_169 : i32
          %add3A_173 = arith.addi %select_n3A_172, %select_n3A_14 : i32
          %add3A_174 = arith.constant 1 : i32
          %add3A_175 = arith.addi %select_n3A_172, %add3A_174 : i32
          %select_n3A_176 = arith.constant true
          %select_n3A_177 = arith.select %select_n3A_176, %add3A_175, %select_n3A_172 : i32
          %eq3A_178 = arith.cmpi eq, %select_n3A_177, %select_n3A : i32
          %select_n3A_179 = arith.constant 0 : i32
          %select_n3A_180 = arith.select %eq3A_178, %select_n3A_179, %select_n3A_177 : i32
          %add3A_181 = arith.addi %select_n3A_180, %select_n3A_14 : i32
          %ne3A = arith.cmpi ne, %add3A_155, %add3A_173 : i32
          %or3A = arith.constant false
          %or3A_182 = arith.ori %or3A, %ne3A : i1
          %sub3A_183 = arith.constant 2 : i32
          %sub3A_184 = arith.subi %mul3A_149, %sub3A_183 : i32
          %add3A_185 = arith.constant 1 : i32
          %add3A_186 = arith.addi %sub3A_184, %add3A_185 : i32
          %ge3A = arith.cmpi sge, %while3A_142, %add3A_186 : i32
          %not3A = arith.constant true
          %not3A_187 = arith.xori %ge3A, %not3A : i1
          %and3A = arith.andi %or3A_182, %not3A_187 : i1
          %convert_element_type3A_188 = arith.extui %and3A : i1 to i32
          %cond3A_189 = arith.constant 0 : i32
          %cond3A_190 = arith.cmpi ne, %convert_element_type3A_188, %cond3A_189 : i32
          scf.if %cond3A_190 {
            "tpu.trace_start"() <{level = 10 : i32, message = "ep_copy_in"}> : () -> ()
            %rem3A_294 = arith.constant 2 : i32
            %rem3A_295 = arith.remui %while3A_143, %rem3A_294 : i32
            %mul3A_296 = arith.constant 128 : i32
            %mul3A_297 = arith.muli %mul3A_296, %add3A_173 : i32
            %dma_start3A_298 = arith.constant 0 : i32
            %dma_start3A_299 = arith.constant 0 : i32
            %dma_start3A_300 = tpu.memref_slice %run_scoped3A[%rem3A_295, %dma_start3A_298, %dma_start3A_299] : memref<2x1x128xi32, #tpu.memory_space<vmem>> -> memref<1x1x128xi32, #tpu.memory_space<vmem>>
            %dma_start3A_301 = tpu.memref_squeeze %dma_start3A_300 : memref<1x1x128xi32, #tpu.memory_space<vmem>> -> memref<1x128xi32, #tpu.memory_space<vmem>>
            %dma_start3A_302 = arith.constant 0 : i32
            %dma_start3A_303 = tpu.memref_slice %arg3[%dma_start3A_302, %mul3A_297] : memref<1x9216xi32, #tpu.memory_space<hbm>> -> memref<1x128xi32, #tpu.memory_space<hbm>>
            %dma_start3A_304 = tpu.memref_slice %run_scoped3A_17[%rem3A_295] : memref<2x!tpu.dma_semaphore, #tpu.memory_space<semaphore_mem>> -> memref<1x!tpu.dma_semaphore, #tpu.memory_space<semaphore_mem>>
            %dma_start3A_305 = tpu.memref_squeeze %dma_start3A_304 : memref<1x!tpu.dma_semaphore, #tpu.memory_space<semaphore_mem>> -> memref<!tpu.dma_semaphore, #tpu.memory_space<semaphore_mem>>
            %dma_start3A_306 = arith.constant 0 : i32
            %dma_start3A_307 = arith.constant 0 : i32
            %dma_start3A_308 = tpu.memref_slice %run_scoped3A[%rem3A_295, %dma_start3A_306, %dma_start3A_307] : memref<2x1x128xi32, #tpu.memory_space<vmem>> -> memref<1x1x128xi32, #tpu.memory_space<vmem>>
            %dma_start3A_309 = tpu.memref_squeeze %dma_start3A_308 : memref<1x1x128xi32, #tpu.memory_space<vmem>> -> memref<1x128xi32, #tpu.memory_space<vmem>>
            %dma_start3A_310 = arith.constant 0 : i32
            %dma_start3A_311 = tpu.memref_slice %arg3[%dma_start3A_310, %mul3A_297] : memref<1x9216xi32, #tpu.memory_space<hbm>> -> memref<1x128xi32, #tpu.memory_space<hbm>>
            tpu.enqueue_dma source(%dma_start3A_311 : memref<1x128xi32, #tpu.memory_space<hbm>>) target(%dma_start3A_309 : memref<1x128xi32, #tpu.memory_space<vmem>>) target_semaphore(%dma_start3A_305 : memref<!tpu.dma_semaphore, #tpu.memory_space<semaphore_mem>>)
            "tpu.trace_stop"() : () -> ()
          } else {
          }
          %and3A_191 = arith.constant true
          %and3A_192 = arith.andi %and3A, %and3A_191 : i1
          %add3A_193 = arith.constant 1 : i32
          %add3A_194 = arith.addi %while3A_143, %add3A_193 : i32
          %select_n3A_195 = arith.select %and3A_192, %add3A_194, %while3A_143 : i32
          %ne3A_196 = arith.cmpi ne, %add3A_155, %add3A_173 : i32
          %or3A_197 = arith.constant false
          %or3A_198 = arith.ori %or3A_197, %ne3A_196 : i1
          %or3A_199 = arith.constant false
          %or3A_200 = arith.ori %or3A_198, %or3A_199 : i1
          %sub3A_201 = arith.constant 2 : i32
          %sub3A_202 = arith.subi %mul3A_149, %sub3A_201 : i32
          %add3A_203 = arith.constant 1 : i32
          %add3A_204 = arith.addi %sub3A_202, %add3A_203 : i32
          %ge3A_205 = arith.cmpi sge, %while3A_142, %add3A_204 : i32
          %not3A_206 = arith.constant true
          %not3A_207 = arith.xori %ge3A_205, %not3A_206 : i1
          %and3A_208 = arith.andi %or3A_200, %not3A_207 : i1
          %ne3A_209 = arith.cmpi ne, %add3A_155, %add3A_165 : i32
          %or3A_210 = arith.constant false
          %or3A_211 = arith.ori %or3A_210, %ne3A_209 : i1
          %or3A_212 = arith.ori %or3A_211, %eq3A_151 : i1
          %convert_element_type3A_213 = arith.extui %or3A_212 : i1 to i32
          %cond3A_214 = arith.constant 0 : i32
          %cond3A_215 = arith.cmpi ne, %convert_element_type3A_213, %cond3A_214 : i32
          scf.if %cond3A_215 {
            "tpu.trace_start"() <{level = 10 : i32, message = "ep_wait_in"}> : () -> ()
            %mul3A_294 = arith.constant 128 : i32
            %mul3A_295 = arith.muli %mul3A_294, %add3A_155 : i32
            %rem3A_296 = arith.constant 2 : i32
            %rem3A_297 = arith.remui %while3A_144, %rem3A_296 : i32
            %dma_wait3A = arith.constant 0 : i32
            %dma_wait3A_298 = arith.constant 0 : i32
            %dma_wait3A_299 = tpu.memref_slice %run_scoped3A[%rem3A_297, %dma_wait3A, %dma_wait3A_298] : memref<2x1x128xi32, #tpu.memory_space<vmem>> -> memref<1x1x128xi32, #tpu.memory_space<vmem>>
            %dma_wait3A_300 = tpu.memref_squeeze %dma_wait3A_299 : memref<1x1x128xi32, #tpu.memory_space<vmem>> -> memref<1x128xi32, #tpu.memory_space<vmem>>
            %dma_wait3A_301 = arith.constant 0 : i32
            %dma_wait3A_302 = tpu.memref_slice %arg3[%dma_wait3A_301, %mul3A_295] : memref<1x9216xi32, #tpu.memory_space<hbm>> -> memref<1x128xi32, #tpu.memory_space<hbm>>
            %dma_wait3A_303 = tpu.memref_slice %run_scoped3A_17[%rem3A_297] : memref<2x!tpu.dma_semaphore, #tpu.memory_space<semaphore_mem>> -> memref<1x!tpu.dma_semaphore, #tpu.memory_space<semaphore_mem>>
            %dma_wait3A_304 = tpu.memref_squeeze %dma_wait3A_303 : memref<1x!tpu.dma_semaphore, #tpu.memory_space<semaphore_mem>> -> memref<!tpu.dma_semaphore, #tpu.memory_space<semaphore_mem>>
            %dma_wait3A_305 = arith.constant 0 : i32
            %dma_wait3A_306 = arith.constant 0 : i32
            %dma_wait3A_307 = tpu.memref_slice %run_scoped3A[%rem3A_297, %dma_wait3A_305, %dma_wait3A_306] : memref<2x1x128xi32, #tpu.memory_space<vmem>> -> memref<1x1x128xi32, #tpu.memory_space<vmem>>
            %dma_wait3A_308 = tpu.memref_squeeze %dma_wait3A_307 : memref<1x1x128xi32, #tpu.memory_space<vmem>> -> memref<1x128xi32, #tpu.memory_space<vmem>>
            %dma_wait3A_309 = arith.constant 0 : i32
            %dma_wait3A_310 = tpu.memref_slice %arg3[%dma_wait3A_309, %mul3A_295] : memref<1x9216xi32, #tpu.memory_space<hbm>> -> memref<1x128xi32, #tpu.memory_space<hbm>>
            tpu.wait_dma2 semaphore(%dma_wait3A_304 : memref<!tpu.dma_semaphore, #tpu.memory_space<semaphore_mem>>) src(%dma_wait3A_310 : memref<1x128xi32, #tpu.memory_space<hbm>>) dst(%dma_wait3A_308 : memref<1x128xi32, #tpu.memory_space<vmem>>)
            "tpu.trace_stop"() : () -> ()
          } else {
          }
          %ne3A_216 = arith.cmpi ne, %add3A_155, %add3A_165 : i32
          %or3A_217 = arith.constant false
          %or3A_218 = arith.ori %or3A_217, %ne3A_216 : i1
          %or3A_219 = arith.constant false
          %or3A_220 = arith.ori %or3A_218, %or3A_219 : i1
          %or3A_221 = arith.ori %or3A_220, %eq3A_151 : i1
          %convert_element_type3A_222 = arith.extui %or3A_221 : i1 to i32
          %cond3A_223 = arith.constant 0 : i32
          %cond3A_224 = arith.cmpi ne, %convert_element_type3A_222, %cond3A_223 : i32
          scf.if %cond3A_224 {
          } else {
          }
          %rem3A_225 = arith.constant 2 : i32
          %rem3A_226 = arith.remui %while3A_144, %rem3A_225 : i32
          %rem3A_227 = arith.constant 2 : i32
          %rem3A_228 = arith.remui %while3A_145, %rem3A_227 : i32
          %run_scoped3A_229 = arith.constant 0 : i32
          "tpu.trace_start"() <{level = 10 : i32, message = "ep_run_kernel"}> : () -> ()
          "tpu.region"() ({
            %run_scoped3A_294 = tpu.sem_alloc : memref<!tpu.dma_semaphore, #tpu.memory_space<semaphore_mem>>
            %dma_start3A_295 = arith.constant 0 : i32
            %dma_start3A_296 = arith.constant 0 : i32
            %dma_start3A_297 = tpu.memref_slice %run_scoped3A_18[%rem3A_228, %dma_start3A_295, %dma_start3A_296] : memref<2x128x256xf32, #tpu.memory_space<vmem>> -> memref<1x128x256xf32, #tpu.memory_space<vmem>>
            %dma_start3A_298 = tpu.memref_squeeze %dma_start3A_297 : memref<1x128x256xf32, #tpu.memory_space<vmem>> -> memref<128x256xf32, #tpu.memory_space<vmem>>
            %dma_start3A_299 = arith.constant 0 : i32
            %dma_start3A_300 = arith.constant 0 : i32
            %dma_start3A_301 = tpu.memref_slice %run_scoped3A[%rem3A_226, %dma_start3A_299, %dma_start3A_300] : memref<2x1x128xi32, #tpu.memory_space<vmem>> -> memref<1x1x128xi32, #tpu.memory_space<vmem>>
            %dma_start3A_302 = tpu.memref_squeeze %dma_start3A_301 : memref<1x1x128xi32, #tpu.memory_space<vmem>> -> memref<1x128xi32, #tpu.memory_space<vmem>>
            %dma_start3A_303 = arith.constant 0 : i32
            %dma_start3A_304 = tpu.memref_slice %dma_start3A_302[%run_scoped3A_229, %dma_start3A_303] : memref<1x128xi32, #tpu.memory_space<vmem>> -> memref<1x128xi32, #tpu.memory_space<vmem>>
            %dma_start3A_305 = tpu.memref_squeeze %dma_start3A_304 : memref<1x128xi32, #tpu.memory_space<vmem>> -> memref<128xi32, #tpu.memory_space<vmem>>
            %dma_start3A_306 = arith.constant 0 : i32
            %dma_start3A_307 = arith.constant 0 : i32
            %dma_start3A_308 = tpu.memref_slice %arg2[%dma_start3A_306, %dma_start3A_307] : memref<8192x256xf32, #tpu.memory_space<hbm>> -> memref<8192x256xf32, #tpu.memory_space<hbm>>
            tpu.enqueue_indirect_dma source(%dma_start3A_308 : memref<8192x256xf32, #tpu.memory_space<hbm>>) target(%dma_start3A_298 : memref<128x256xf32, #tpu.memory_space<vmem>>) offsets(%dma_start3A_305 : memref<128xi32, #tpu.memory_space<vmem>>) semaphore(%run_scoped3A_294 : memref<!tpu.dma_semaphore, #tpu.memory_space<semaphore_mem>>)
            %dma_wait3A = arith.constant 0 : i32
            %dma_wait3A_309 = arith.constant 0 : i32
            %dma_wait3A_310 = tpu.memref_slice %run_scoped3A_18[%rem3A_228, %dma_wait3A, %dma_wait3A_309] : memref<2x128x256xf32, #tpu.memory_space<vmem>> -> memref<1x128x256xf32, #tpu.memory_space<vmem>>
            %dma_wait3A_311 = tpu.memref_squeeze %dma_wait3A_310 : memref<1x128x256xf32, #tpu.memory_space<vmem>> -> memref<128x256xf32, #tpu.memory_space<vmem>>
            %dma_wait3A_312 = arith.constant 0 : i32
            %dma_wait3A_313 = arith.constant 0 : i32
            %dma_wait3A_314 = tpu.memref_slice %run_scoped3A[%rem3A_226, %dma_wait3A_312, %dma_wait3A_313] : memref<2x1x128xi32, #tpu.memory_space<vmem>> -> memref<1x1x128xi32, #tpu.memory_space<vmem>>
            %dma_wait3A_315 = tpu.memref_squeeze %dma_wait3A_314 : memref<1x1x128xi32, #tpu.memory_space<vmem>> -> memref<1x128xi32, #tpu.memory_space<vmem>>
            %dma_wait3A_316 = arith.constant 0 : i32
            %dma_wait3A_317 = tpu.memref_slice %dma_wait3A_315[%run_scoped3A_229, %dma_wait3A_316] : memref<1x128xi32, #tpu.memory_space<vmem>> -> memref<1x128xi32, #tpu.memory_space<vmem>>
            %dma_wait3A_318 = tpu.memref_squeeze %dma_wait3A_317 : memref<1x128xi32, #tpu.memory_space<vmem>> -> memref<128xi32, #tpu.memory_space<vmem>>
            %dma_wait3A_319 = arith.constant 0 : i32
            %dma_wait3A_320 = arith.constant 0 : i32
            %dma_wait3A_321 = tpu.memref_slice %arg2[%dma_wait3A_319, %dma_wait3A_320] : memref<8192x256xf32, #tpu.memory_space<hbm>> -> memref<8192x256xf32, #tpu.memory_space<hbm>>
            tpu.wait_indirect_dma semaphore(%run_scoped3A_294 : memref<!tpu.dma_semaphore, #tpu.memory_space<semaphore_mem>>) src(%dma_wait3A_321 : memref<8192x256xf32, #tpu.memory_space<hbm>>) dst(%dma_wait3A_311 : memref<128x256xf32, #tpu.memory_space<vmem>>)
            tpu.yield
          }) : () -> ()
          "tpu.trace_stop"() : () -> ()
          %ne3A_230 = arith.cmpi ne, %add3A_155, %add3A_173 : i32
          %or3A_231 = arith.constant false
          %or3A_232 = arith.ori %or3A_231, %ne3A_230 : i1
          %or3A_233 = arith.ori %or3A_232, %eq3A_154 : i1
          %convert_element_type3A_234 = arith.extui %or3A_233 : i1 to i32
          %cond3A_235 = arith.constant 0 : i32
          %cond3A_236 = arith.cmpi ne, %convert_element_type3A_234, %cond3A_235 : i32
          scf.if %cond3A_236 {
          } else {
          }
          %and3A_237 = arith.constant false
          %and3A_238 = arith.andi %or3A_233, %and3A_237 : i1
          %ne3A_239 = arith.cmpi ne, %add3A_155, %add3A_173 : i32
          %or3A_240 = arith.constant false
          %or3A_241 = arith.ori %or3A_240, %ne3A_239 : i1
          %or3A_242 = arith.constant false
          %or3A_243 = arith.ori %or3A_241, %or3A_242 : i1
          %or3A_244 = arith.ori %or3A_243, %eq3A_154 : i1
          %convert_element_type3A_245 = arith.extui %or3A_244 : i1 to i32
          %cond3A_246 = arith.constant 0 : i32
          %cond3A_247 = arith.cmpi ne, %convert_element_type3A_245, %cond3A_246 : i32
          scf.if %cond3A_247 {
            "tpu.trace_start"() <{level = 10 : i32, message = "ep_copy_out"}> : () -> ()
            %rem3A_294 = arith.constant 2 : i32
            %rem3A_295 = arith.remui %while3A_145, %rem3A_294 : i32
            %mul3A_296 = arith.constant 128 : i32
            %mul3A_297 = arith.muli %mul3A_296, %add3A_155 : i32
            %dma_start3A_298 = arith.constant 0 : i32
            %dma_start3A_299 = arith.constant 0 : i32
            %dma_start3A_300 = tpu.memref_slice %run_scoped3A_18[%rem3A_295, %dma_start3A_298, %dma_start3A_299] : memref<2x128x256xf32, #tpu.memory_space<vmem>> -> memref<1x128x256xf32, #tpu.memory_space<vmem>>
            %dma_start3A_301 = tpu.memref_squeeze %dma_start3A_300 : memref<1x128x256xf32, #tpu.memory_space<vmem>> -> memref<128x256xf32, #tpu.memory_space<vmem>>
            %dma_start3A_302 = arith.constant 0 : i32
            %dma_start3A_303 = tpu.memref_slice %arg4[%mul3A_297, %dma_start3A_302] : memref<9216x256xf32, #tpu.memory_space<hbm>> -> memref<128x256xf32, #tpu.memory_space<hbm>>
            %dma_start3A_304 = tpu.memref_slice %run_scoped3A_19[%rem3A_295] : memref<2x!tpu.dma_semaphore, #tpu.memory_space<semaphore_mem>> -> memref<1x!tpu.dma_semaphore, #tpu.memory_space<semaphore_mem>>
            %dma_start3A_305 = tpu.memref_squeeze %dma_start3A_304 : memref<1x!tpu.dma_semaphore, #tpu.memory_space<semaphore_mem>> -> memref<!tpu.dma_semaphore, #tpu.memory_space<semaphore_mem>>
            %dma_start3A_306 = arith.constant 0 : i32
            %dma_start3A_307 = tpu.memref_slice %arg4[%mul3A_297, %dma_start3A_306] : memref<9216x256xf32, #tpu.memory_space<hbm>> -> memref<128x256xf32, #tpu.memory_space<hbm>>
            %dma_start3A_308 = arith.constant 0 : i32
            %dma_start3A_309 = arith.constant 0 : i32
            %dma_start3A_310 = tpu.memref_slice %run_scoped3A_18[%rem3A_295, %dma_start3A_308, %dma_start3A_309] : memref<2x128x256xf32, #tpu.memory_space<vmem>> -> memref<1x128x256xf32, #tpu.memory_space<vmem>>
            %dma_start3A_311 = tpu.memref_squeeze %dma_start3A_310 : memref<1x128x256xf32, #tpu.memory_space<vmem>> -> memref<128x256xf32, #tpu.memory_space<vmem>>
            tpu.enqueue_dma source(%dma_start3A_311 : memref<128x256xf32, #tpu.memory_space<vmem>>) target(%dma_start3A_307 : memref<128x256xf32, #tpu.memory_space<hbm>>) target_semaphore(%dma_start3A_305 : memref<!tpu.dma_semaphore, #tpu.memory_space<semaphore_mem>>)
            "tpu.trace_stop"() : () -> ()
          } else {
          }
          %and3A_248 = arith.constant true
          %and3A_249 = arith.andi %or3A_244, %and3A_248 : i1
          %add3A_250 = arith.constant 1 : i32
          %add3A_251 = arith.addi %while3A_145, %add3A_250 : i32
          %select_n3A_252 = arith.select %and3A_249, %add3A_251, %while3A_145 : i32
          %ne3A_253 = arith.cmpi ne, %add3A_155, %add3A_165 : i32
          %or3A_254 = arith.constant false
          %or3A_255 = arith.ori %or3A_254, %ne3A_253 : i1
          %not3A_256 = arith.constant true
          %not3A_257 = arith.xori %eq3A_151, %not3A_256 : i1
          %and3A_258 = arith.andi %or3A_255, %not3A_257 : i1
          %convert_element_type3A_259 = arith.extui %and3A_258 : i1 to i32
          %cond3A_260 = arith.constant 0 : i32
          %cond3A_261 = arith.cmpi ne, %convert_element_type3A_259, %cond3A_260 : i32
          scf.if %cond3A_261 {
          } else {
          }
          %and3A_262 = arith.constant false
          %and3A_263 = arith.andi %and3A_258, %and3A_262 : i1
          %ne3A_264 = arith.cmpi ne, %add3A_155, %add3A_165 : i32
          %or3A_265 = arith.constant false
          %or3A_266 = arith.ori %or3A_265, %ne3A_264 : i1
          %or3A_267 = arith.constant false
          %or3A_268 = arith.ori %or3A_266, %or3A_267 : i1
          %not3A_269 = arith.constant true
          %not3A_270 = arith.xori %eq3A_151, %not3A_269 : i1
          %and3A_271 = arith.andi %or3A_268, %not3A_270 : i1
          %convert_element_type3A_272 = arith.extui %and3A_271 : i1 to i32
          %cond3A_273 = arith.constant 0 : i32
          %cond3A_274 = arith.cmpi ne, %convert_element_type3A_272, %cond3A_273 : i32
          scf.if %cond3A_274 {
            "tpu.trace_start"() <{level = 10 : i32, message = "ep_wait_out"}> : () -> ()
            %rem3A_294 = arith.constant 2 : i32
            %rem3A_295 = arith.remui %while3A_146, %rem3A_294 : i32
            %mul3A_296 = arith.constant 128 : i32
            %mul3A_297 = arith.muli %mul3A_296, %add3A_165 : i32
            %dma_wait3A = arith.constant 0 : i32
            %dma_wait3A_298 = arith.constant 0 : i32
            %dma_wait3A_299 = tpu.memref_slice %run_scoped3A_18[%rem3A_295, %dma_wait3A, %dma_wait3A_298] : memref<2x128x256xf32, #tpu.memory_space<vmem>> -> memref<1x128x256xf32, #tpu.memory_space<vmem>>
            %dma_wait3A_300 = tpu.memref_squeeze %dma_wait3A_299 : memref<1x128x256xf32, #tpu.memory_space<vmem>> -> memref<128x256xf32, #tpu.memory_space<vmem>>
            %dma_wait3A_301 = arith.constant 0 : i32
            %dma_wait3A_302 = tpu.memref_slice %arg4[%mul3A_297, %dma_wait3A_301] : memref<9216x256xf32, #tpu.memory_space<hbm>> -> memref<128x256xf32, #tpu.memory_space<hbm>>
            %dma_wait3A_303 = tpu.memref_slice %run_scoped3A_19[%rem3A_295] : memref<2x!tpu.dma_semaphore, #tpu.memory_space<semaphore_mem>> -> memref<1x!tpu.dma_semaphore, #tpu.memory_space<semaphore_mem>>
            %dma_wait3A_304 = tpu.memref_squeeze %dma_wait3A_303 : memref<1x!tpu.dma_semaphore, #tpu.memory_space<semaphore_mem>> -> memref<!tpu.dma_semaphore, #tpu.memory_space<semaphore_mem>>
            %dma_wait3A_305 = arith.constant 0 : i32
            %dma_wait3A_306 = tpu.memref_slice %arg4[%mul3A_297, %dma_wait3A_305] : memref<9216x256xf32, #tpu.memory_space<hbm>> -> memref<128x256xf32, #tpu.memory_space<hbm>>
            %dma_wait3A_307 = arith.constant 0 : i32
            %dma_wait3A_308 = arith.constant 0 : i32
            %dma_wait3A_309 = tpu.memref_slice %run_scoped3A_18[%rem3A_295, %dma_wait3A_307, %dma_wait3A_308] : memref<2x128x256xf32, #tpu.memory_space<vmem>> -> memref<1x128x256xf32, #tpu.memory_space<vmem>>
            %dma_wait3A_310 = tpu.memref_squeeze %dma_wait3A_309 : memref<1x128x256xf32, #tpu.memory_space<vmem>> -> memref<128x256xf32, #tpu.memory_space<vmem>>
            tpu.wait_dma2 semaphore(%dma_wait3A_304 : memref<!tpu.dma_semaphore, #tpu.memory_space<semaphore_mem>>) src(%dma_wait3A_310 : memref<128x256xf32, #tpu.memory_space<vmem>>) dst(%dma_wait3A_306 : memref<128x256xf32, #tpu.memory_space<hbm>>)
            "tpu.trace_stop"() : () -> ()
          } else {
          }
          %and3A_275 = arith.constant true
          %and3A_276 = arith.andi %and3A_271, %and3A_275 : i1
          %add3A_277 = arith.constant 1 : i32
          %add3A_278 = arith.addi %while3A_146, %add3A_277 : i32
          %select_n3A_279 = arith.select %and3A_276, %add3A_278, %while3A_146 : i32
          %ne3A_280 = arith.cmpi ne, %add3A_155, %add3A_173 : i32
          %or3A_281 = arith.constant false
          %or3A_282 = arith.ori %or3A_281, %ne3A_280 : i1
          %or3A_283 = arith.ori %or3A_282, %eq3A_154 : i1
          %add3A_284 = arith.constant 1 : i32
          %add3A_285 = arith.addi %while3A_144, %add3A_284 : i32
          %select_n3A_286 = arith.select %or3A_283, %add3A_285, %while3A_144 : i32
          %add3A_287 = arith.constant 1 : i32
          %add3A_288 = arith.addi %while3A_147, %add3A_287 : i32
          %select_n3A_289 = arith.constant true
          %select_n3A_290 = arith.select %select_n3A_289, %add3A_288, %while3A_147 : i32
          %eq3A_291 = arith.cmpi eq, %select_n3A_290, %select_n3A : i32
          %select_n3A_292 = arith.constant 0 : i32
          %select_n3A_293 = arith.select %eq3A_291, %select_n3A_292, %select_n3A_290 : i32
          scf.yield %select_n3A_195, %select_n3A_286, %select_n3A_252, %select_n3A_279, %select_n3A_293 : i32, i32, i32, i32, i32
        }
        %sub3A_91 = arith.constant 1 : i32
        %sub3A_92 = arith.subi %while3A_90#4, %sub3A_91 : i32
        %select_n3A_93 = arith.constant true
        %select_n3A_94 = arith.select %select_n3A_93, %sub3A_92, %while3A_90#4 : i32
        %eq3A_95 = arith.constant -1 : i32
        %eq3A_96 = arith.cmpi eq, %select_n3A_94, %eq3A_95 : i32
        %sub3A_97 = arith.constant 1 : i32
        %sub3A_98 = arith.subi %select_n3A, %sub3A_97 : i32
        %select_n3A_99 = arith.select %eq3A_96, %sub3A_98, %select_n3A_94 : i32
        %sub3A_100 = arith.constant 1 : i32
        %sub3A_101 = arith.subi %mul3A_16, %sub3A_100 : i32
        %mul3A_102 = arith.constant 1 : i32
        %mul3A_103 = arith.muli %mul3A_102, %select_n3A : i32
        %eq3A_104 = arith.constant 0 : i32
        %eq3A_105 = arith.cmpi eq, %sub3A_101, %eq3A_104 : i32
        %sub3A_106 = arith.constant 1 : i32
        %sub3A_107 = arith.subi %mul3A_103, %sub3A_106 : i32
        %eq3A_108 = arith.cmpi eq, %sub3A_101, %sub3A_107 : i32
        %add3A_109 = arith.addi %select_n3A_99, %select_n3A_14 : i32
        %sub3A_110 = arith.constant 1 : i32
        %sub3A_111 = arith.subi %select_n3A_99, %sub3A_110 : i32
        %select_n3A_112 = arith.constant true
        %select_n3A_113 = arith.select %select_n3A_112, %sub3A_111, %select_n3A_99 : i32
        %eq3A_114 = arith.constant -1 : i32
        %eq3A_115 = arith.cmpi eq, %select_n3A_113, %eq3A_114 : i32
        %sub3A_116 = arith.constant 1 : i32
        %sub3A_117 = arith.subi %select_n3A, %sub3A_116 : i32
        %select_n3A_118 = arith.select %eq3A_115, %sub3A_117, %select_n3A_113 : i32
        %add3A_119 = arith.addi %select_n3A_118, %select_n3A_14 : i32
        %add3A_120 = arith.constant 1 : i32
        %add3A_121 = arith.addi %select_n3A_99, %add3A_120 : i32
        %select_n3A_122 = arith.constant true
        %select_n3A_123 = arith.select %select_n3A_122, %add3A_121, %select_n3A_99 : i32
        %eq3A_124 = arith.cmpi eq, %select_n3A_123, %select_n3A : i32
        %select_n3A_125 = arith.constant 0 : i32
        %select_n3A_126 = arith.select %eq3A_124, %select_n3A_125, %select_n3A_123 : i32
        %add3A_127 = arith.addi %select_n3A_126, %select_n3A_14 : i32
        %add3A_128 = arith.constant 1 : i32
        %add3A_129 = arith.addi %select_n3A_126, %add3A_128 : i32
        %select_n3A_130 = arith.constant true
        %select_n3A_131 = arith.select %select_n3A_130, %add3A_129, %select_n3A_126 : i32
        %eq3A_132 = arith.cmpi eq, %select_n3A_131, %select_n3A : i32
        %select_n3A_133 = arith.constant 0 : i32
        %select_n3A_134 = arith.select %eq3A_132, %select_n3A_133, %select_n3A_131 : i32
        %add3A_135 = arith.addi %select_n3A_134, %select_n3A_14 : i32
        %convert_element_type3A_136 = arith.extui %eq3A_108 : i1 to i32
        %cond3A_137 = arith.constant 0 : i32
        %cond3A_138 = arith.cmpi ne, %convert_element_type3A_136, %cond3A_137 : i32
        scf.if %cond3A_138 {
        } else {
        }
        %convert_element_type3A_139 = arith.extui %eq3A_108 : i1 to i32
        %cond3A_140 = arith.constant 0 : i32
        %cond3A_141 = arith.cmpi ne, %convert_element_type3A_139, %cond3A_140 : i32
        scf.if %cond3A_141 {
          "tpu.trace_start"() <{level = 10 : i32, message = "ep_finalize"}> : () -> ()
          %rem3A_142 = arith.constant 2 : i32
          %rem3A_143 = arith.remui %while3A_90#3, %rem3A_142 : i32
          %mul3A_144 = arith.constant 128 : i32
          %mul3A_145 = arith.muli %mul3A_144, %add3A_109 : i32
          %dma_wait3A = arith.constant 0 : i32
          %dma_wait3A_146 = arith.constant 0 : i32
          %dma_wait3A_147 = tpu.memref_slice %run_scoped3A_18[%rem3A_143, %dma_wait3A, %dma_wait3A_146] : memref<2x128x256xf32, #tpu.memory_space<vmem>> -> memref<1x128x256xf32, #tpu.memory_space<vmem>>
          %dma_wait3A_148 = tpu.memref_squeeze %dma_wait3A_147 : memref<1x128x256xf32, #tpu.memory_space<vmem>> -> memref<128x256xf32, #tpu.memory_space<vmem>>
          %dma_wait3A_149 = arith.constant 0 : i32
          %dma_wait3A_150 = tpu.memref_slice %arg4[%mul3A_145, %dma_wait3A_149] : memref<9216x256xf32, #tpu.memory_space<hbm>> -> memref<128x256xf32, #tpu.memory_space<hbm>>
          %dma_wait3A_151 = tpu.memref_slice %run_scoped3A_19[%rem3A_143] : memref<2x!tpu.dma_semaphore, #tpu.memory_space<semaphore_mem>> -> memref<1x!tpu.dma_semaphore, #tpu.memory_space<semaphore_mem>>
          %dma_wait3A_152 = tpu.memref_squeeze %dma_wait3A_151 : memref<1x!tpu.dma_semaphore, #tpu.memory_space<semaphore_mem>> -> memref<!tpu.dma_semaphore, #tpu.memory_space<semaphore_mem>>
          %dma_wait3A_153 = arith.constant 0 : i32
          %dma_wait3A_154 = tpu.memref_slice %arg4[%mul3A_145, %dma_wait3A_153] : memref<9216x256xf32, #tpu.memory_space<hbm>> -> memref<128x256xf32, #tpu.memory_space<hbm>>
          %dma_wait3A_155 = arith.constant 0 : i32
          %dma_wait3A_156 = arith.constant 0 : i32
          %dma_wait3A_157 = tpu.memref_slice %run_scoped3A_18[%rem3A_143, %dma_wait3A_155, %dma_wait3A_156] : memref<2x128x256xf32, #tpu.memory_space<vmem>> -> memref<1x128x256xf32, #tpu.memory_space<vmem>>
          %dma_wait3A_158 = tpu.memref_squeeze %dma_wait3A_157 : memref<1x128x256xf32, #tpu.memory_space<vmem>> -> memref<128x256xf32, #tpu.memory_space<vmem>>
          tpu.wait_dma2 semaphore(%dma_wait3A_152 : memref<!tpu.dma_semaphore, #tpu.memory_space<semaphore_mem>>) src(%dma_wait3A_158 : memref<128x256xf32, #tpu.memory_space<vmem>>) dst(%dma_wait3A_154 : memref<128x256xf32, #tpu.memory_space<hbm>>)
          "tpu.trace_stop"() : () -> ()
        } else {
        }
      } else {
      }
      tpu.yield
    }) : () -> ()
    return
  }
}

module attributes {stable_mosaic.version = 14 : i64} {
  func.func @_dist_argmin_body(%arg0: i32, %arg1: memref<512x1xf32, #tpu.memory_space<vmem>>, %arg2: memref<512x256xf32, #tpu.memory_space<vmem>>, %arg3: memref<3x2816x256xbf16, #tpu.memory_space<vmem>>, %arg4: memref<3x1x2816xf32, #tpu.memory_space<vmem>>, %arg5: memref<512xi32, #tpu.memory_space<vmem>>) attributes {dimension_semantics = [#tpu.dimension_semantics<arbitrary>], iteration_bounds = array<i64: 18>, scalar_prefetch = 0 : i64, scratch_operands = 0 : i64, tpu.core_type = #tpu.core_type<tc>, window_params = [{transform_indices = @transform_0, window_bounds = array<i64: 512, 1>}, {transform_indices = @transform_1, window_bounds = array<i64: 512, 256>}, {pipeline_mode = #tpu.pipeline_mode<synchronous>, transform_indices = @transform_2, window_bounds = array<i64: 3, 2816, 256>}, {pipeline_mode = #tpu.pipeline_mode<synchronous>, transform_indices = @transform_3, window_bounds = array<i64: 3, 1, 2816>}, {transform_indices = @transform_4, window_bounds = array<i64: 512>}]} {
    %get3A = arith.constant 0 : index
    %get3A_0 = arith.constant 0 : index
    %get3A_1 = vector.load %arg2[%get3A, %get3A_0] : memref<512x256xf32, #tpu.memory_space<vmem>>, vector<512x256xf32>
    %mul3A = arith.constant 2.000000e+00 : f32
    %mul3A_2 = vector.broadcast %mul3A : f32 to vector<512x256xf32>
    %mul3A_3 = arith.mulf %get3A_1, %mul3A_2 : vector<512x256xf32>
    %convert_element_type3A = arith.truncf %mul3A_3 : vector<512x256xf32> to vector<512x256xbf16>
    %get3A_4 = arith.constant 0 : index
    %get3A_5 = arith.constant 0 : index
    %get3A_6 = vector.load %arg1[%get3A_4, %get3A_5] : memref<512x1xf32, #tpu.memory_space<vmem>>, vector<512x1xf32>
    %broadcast_in_dim3A = arith.constant 0x7F800000 : f32
    %broadcast_in_dim3A_7 = vector.broadcast %broadcast_in_dim3A : f32 to vector<512x1xf32>
    %broadcast_in_dim3A_8 = arith.constant 0 : i32
    %broadcast_in_dim3A_9 = vector.broadcast %broadcast_in_dim3A_8 : i32 to vector<512x1xi32>
    %iota3A = tpu.iota {dimensions = array<i32: 1>} : vector<512x128xi32>
    %get3A_10 = arith.constant 0 : index
    %get3A_11 = arith.constant 0 : index
    %get3A_12 = arith.constant 0 : index
    %get3A_13 = vector.load %arg3[%get3A_10, %get3A_11, %get3A_12] : memref<3x2816x256xbf16, #tpu.memory_space<vmem>>, vector<1x2816x256xbf16>
    %get3A_14 = vector.shape_cast %get3A_13 : vector<1x2816x256xbf16> to vector<2816x256xbf16>
    %dot_general3A = arith.constant dense<0.000000e+00> : vector<512x2816xf32>
    %dot_general3A_15 = tpu.matmul %convert_element_type3A, %get3A_14, %dot_general3A {dimension_numbers = #tpu.dot_dimension_numbers<[1], [1], [0], [0], [0, 0, 1, 0], [], []>, transpose_lhs_hint = false} : vector<512x256xbf16>, vector<2816x256xbf16>, vector<512x2816xf32> -> vector<512x2816xf32>
    %get3A_16 = arith.constant 0 : index
    %get3A_17 = arith.constant 0 : index
    %get3A_18 = arith.constant 0 : index
    %get3A_19 = vector.load %arg4[%get3A_16, %get3A_17, %get3A_18] : memref<3x1x2816xf32, #tpu.memory_space<vmem>>, vector<1x1x2816xf32>
    %get3A_20 = vector.shape_cast %get3A_19 : vector<1x1x2816xf32> to vector<1x2816xf32>
    %broadcast_in_dim3A_21 = arith.constant 0x7F800000 : f32
    %broadcast_in_dim3A_22 = vector.broadcast %broadcast_in_dim3A_21 : f32 to vector<512x128xf32>
    %broadcast_in_dim3A_23 = arith.constant 0 : i32
    %broadcast_in_dim3A_24 = vector.broadcast %broadcast_in_dim3A_23 : i32 to vector<512x128xi32>
    %slice3A = vector.extract_strided_slice %dot_general3A_15 {offsets = [0, 0], sizes = [512, 128], strides = [1, 1]} : vector<512x2816xf32> to vector<512x128xf32>
    %sub3A = vector.broadcast %get3A_6 : vector<512x1xf32> to vector<512x128xf32>
    %sub3A_25 = arith.subf %sub3A, %slice3A : vector<512x128xf32>
    %slice3A_26 = vector.extract_strided_slice %get3A_20 {offsets = [0, 0], sizes = [1, 128], strides = [1, 1]} : vector<1x2816xf32> to vector<1x128xf32>
    %add3A = vector.broadcast %slice3A_26 : vector<1x128xf32> to vector<512x128xf32>
    %add3A_27 = arith.addf %sub3A_25, %add3A : vector<512x128xf32>
    %lt3A = arith.cmpf olt, %add3A_27, %broadcast_in_dim3A_22 : vector<512x128xf32>
    %select_n3A = arith.select %lt3A, %add3A_27, %broadcast_in_dim3A_22 : vector<512x128xi1>, vector<512x128xf32>
    %jit3A = arith.constant 0 : i32
    %broadcast_in_dim3A_28 = vector.broadcast %jit3A : i32 to vector<512x128xi32>
    %select_n3A_29 = arith.select %lt3A, %broadcast_in_dim3A_28, %broadcast_in_dim3A_24 : vector<512x128xi1>, vector<512x128xi32>
    %slice3A_30 = vector.extract_strided_slice %dot_general3A_15 {offsets = [0, 128], sizes = [512, 128], strides = [1, 1]} : vector<512x2816xf32> to vector<512x128xf32>
    %sub3A_31 = vector.broadcast %get3A_6 : vector<512x1xf32> to vector<512x128xf32>
    %sub3A_32 = arith.subf %sub3A_31, %slice3A_30 : vector<512x128xf32>
    %slice3A_33 = vector.extract_strided_slice %get3A_20 {offsets = [0, 128], sizes = [1, 128], strides = [1, 1]} : vector<1x2816xf32> to vector<1x128xf32>
    %add3A_34 = vector.broadcast %slice3A_33 : vector<1x128xf32> to vector<512x128xf32>
    %add3A_35 = arith.addf %sub3A_32, %add3A_34 : vector<512x128xf32>
    %lt3A_36 = arith.cmpf olt, %add3A_35, %select_n3A : vector<512x128xf32>
    %select_n3A_37 = arith.select %lt3A_36, %add3A_35, %select_n3A : vector<512x128xi1>, vector<512x128xf32>
    %jit3A_38 = arith.constant 1 : i32
    %broadcast_in_dim3A_39 = vector.broadcast %jit3A_38 : i32 to vector<512x128xi32>
    %select_n3A_40 = arith.select %lt3A_36, %broadcast_in_dim3A_39, %select_n3A_29 : vector<512x128xi1>, vector<512x128xi32>
    %slice3A_41 = vector.extract_strided_slice %dot_general3A_15 {offsets = [0, 256], sizes = [512, 128], strides = [1, 1]} : vector<512x2816xf32> to vector<512x128xf32>
    %sub3A_42 = vector.broadcast %get3A_6 : vector<512x1xf32> to vector<512x128xf32>
    %sub3A_43 = arith.subf %sub3A_42, %slice3A_41 : vector<512x128xf32>
    %slice3A_44 = vector.extract_strided_slice %get3A_20 {offsets = [0, 256], sizes = [1, 128], strides = [1, 1]} : vector<1x2816xf32> to vector<1x128xf32>
    %add3A_45 = vector.broadcast %slice3A_44 : vector<1x128xf32> to vector<512x128xf32>
    %add3A_46 = arith.addf %sub3A_43, %add3A_45 : vector<512x128xf32>
    %lt3A_47 = arith.cmpf olt, %add3A_46, %select_n3A_37 : vector<512x128xf32>
    %select_n3A_48 = arith.select %lt3A_47, %add3A_46, %select_n3A_37 : vector<512x128xi1>, vector<512x128xf32>
    %jit3A_49 = arith.constant 2 : i32
    %broadcast_in_dim3A_50 = vector.broadcast %jit3A_49 : i32 to vector<512x128xi32>
    %select_n3A_51 = arith.select %lt3A_47, %broadcast_in_dim3A_50, %select_n3A_40 : vector<512x128xi1>, vector<512x128xi32>
    %slice3A_52 = vector.extract_strided_slice %dot_general3A_15 {offsets = [0, 384], sizes = [512, 128], strides = [1, 1]} : vector<512x2816xf32> to vector<512x128xf32>
    %sub3A_53 = vector.broadcast %get3A_6 : vector<512x1xf32> to vector<512x128xf32>
    %sub3A_54 = arith.subf %sub3A_53, %slice3A_52 : vector<512x128xf32>
    %slice3A_55 = vector.extract_strided_slice %get3A_20 {offsets = [0, 384], sizes = [1, 128], strides = [1, 1]} : vector<1x2816xf32> to vector<1x128xf32>
    %add3A_56 = vector.broadcast %slice3A_55 : vector<1x128xf32> to vector<512x128xf32>
    %add3A_57 = arith.addf %sub3A_54, %add3A_56 : vector<512x128xf32>
    %lt3A_58 = arith.cmpf olt, %add3A_57, %select_n3A_48 : vector<512x128xf32>
    %select_n3A_59 = arith.select %lt3A_58, %add3A_57, %select_n3A_48 : vector<512x128xi1>, vector<512x128xf32>
    %jit3A_60 = arith.constant 3 : i32
    %broadcast_in_dim3A_61 = vector.broadcast %jit3A_60 : i32 to vector<512x128xi32>
    %select_n3A_62 = arith.select %lt3A_58, %broadcast_in_dim3A_61, %select_n3A_51 : vector<512x128xi1>, vector<512x128xi32>
    %slice3A_63 = vector.extract_strided_slice %dot_general3A_15 {offsets = [0, 512], sizes = [512, 128], strides = [1, 1]} : vector<512x2816xf32> to vector<512x128xf32>
    %sub3A_64 = vector.broadcast %get3A_6 : vector<512x1xf32> to vector<512x128xf32>
    %sub3A_65 = arith.subf %sub3A_64, %slice3A_63 : vector<512x128xf32>
    %slice3A_66 = vector.extract_strided_slice %get3A_20 {offsets = [0, 512], sizes = [1, 128], strides = [1, 1]} : vector<1x2816xf32> to vector<1x128xf32>
    %add3A_67 = vector.broadcast %slice3A_66 : vector<1x128xf32> to vector<512x128xf32>
    %add3A_68 = arith.addf %sub3A_65, %add3A_67 : vector<512x128xf32>
    %lt3A_69 = arith.cmpf olt, %add3A_68, %select_n3A_59 : vector<512x128xf32>
    %select_n3A_70 = arith.select %lt3A_69, %add3A_68, %select_n3A_59 : vector<512x128xi1>, vector<512x128xf32>
    %jit3A_71 = arith.constant 4 : i32
    %broadcast_in_dim3A_72 = vector.broadcast %jit3A_71 : i32 to vector<512x128xi32>
    %select_n3A_73 = arith.select %lt3A_69, %broadcast_in_dim3A_72, %select_n3A_62 : vector<512x128xi1>, vector<512x128xi32>
    %slice3A_74 = vector.extract_strided_slice %dot_general3A_15 {offsets = [0, 640], sizes = [512, 128], strides = [1, 1]} : vector<512x2816xf32> to vector<512x128xf32>
    %sub3A_75 = vector.broadcast %get3A_6 : vector<512x1xf32> to vector<512x128xf32>
    %sub3A_76 = arith.subf %sub3A_75, %slice3A_74 : vector<512x128xf32>
    %slice3A_77 = vector.extract_strided_slice %get3A_20 {offsets = [0, 640], sizes = [1, 128], strides = [1, 1]} : vector<1x2816xf32> to vector<1x128xf32>
    %add3A_78 = vector.broadcast %slice3A_77 : vector<1x128xf32> to vector<512x128xf32>
    %add3A_79 = arith.addf %sub3A_76, %add3A_78 : vector<512x128xf32>
    %lt3A_80 = arith.cmpf olt, %add3A_79, %select_n3A_70 : vector<512x128xf32>
    %select_n3A_81 = arith.select %lt3A_80, %add3A_79, %select_n3A_70 : vector<512x128xi1>, vector<512x128xf32>
    %jit3A_82 = arith.constant 5 : i32
    %broadcast_in_dim3A_83 = vector.broadcast %jit3A_82 : i32 to vector<512x128xi32>
    %select_n3A_84 = arith.select %lt3A_80, %broadcast_in_dim3A_83, %select_n3A_73 : vector<512x128xi1>, vector<512x128xi32>
    %slice3A_85 = vector.extract_strided_slice %dot_general3A_15 {offsets = [0, 768], sizes = [512, 128], strides = [1, 1]} : vector<512x2816xf32> to vector<512x128xf32>
    %sub3A_86 = vector.broadcast %get3A_6 : vector<512x1xf32> to vector<512x128xf32>
    %sub3A_87 = arith.subf %sub3A_86, %slice3A_85 : vector<512x128xf32>
    %slice3A_88 = vector.extract_strided_slice %get3A_20 {offsets = [0, 768], sizes = [1, 128], strides = [1, 1]} : vector<1x2816xf32> to vector<1x128xf32>
    %add3A_89 = vector.broadcast %slice3A_88 : vector<1x128xf32> to vector<512x128xf32>
    %add3A_90 = arith.addf %sub3A_87, %add3A_89 : vector<512x128xf32>
    %lt3A_91 = arith.cmpf olt, %add3A_90, %select_n3A_81 : vector<512x128xf32>
    %select_n3A_92 = arith.select %lt3A_91, %add3A_90, %select_n3A_81 : vector<512x128xi1>, vector<512x128xf32>
    %jit3A_93 = arith.constant 6 : i32
    %broadcast_in_dim3A_94 = vector.broadcast %jit3A_93 : i32 to vector<512x128xi32>
    %select_n3A_95 = arith.select %lt3A_91, %broadcast_in_dim3A_94, %select_n3A_84 : vector<512x128xi1>, vector<512x128xi32>
    %slice3A_96 = vector.extract_strided_slice %dot_general3A_15 {offsets = [0, 896], sizes = [512, 128], strides = [1, 1]} : vector<512x2816xf32> to vector<512x128xf32>
    %sub3A_97 = vector.broadcast %get3A_6 : vector<512x1xf32> to vector<512x128xf32>
    %sub3A_98 = arith.subf %sub3A_97, %slice3A_96 : vector<512x128xf32>
    %slice3A_99 = vector.extract_strided_slice %get3A_20 {offsets = [0, 896], sizes = [1, 128], strides = [1, 1]} : vector<1x2816xf32> to vector<1x128xf32>
    %add3A_100 = vector.broadcast %slice3A_99 : vector<1x128xf32> to vector<512x128xf32>
    %add3A_101 = arith.addf %sub3A_98, %add3A_100 : vector<512x128xf32>
    %lt3A_102 = arith.cmpf olt, %add3A_101, %select_n3A_92 : vector<512x128xf32>
    %select_n3A_103 = arith.select %lt3A_102, %add3A_101, %select_n3A_92 : vector<512x128xi1>, vector<512x128xf32>
    %jit3A_104 = arith.constant 7 : i32
    %broadcast_in_dim3A_105 = vector.broadcast %jit3A_104 : i32 to vector<512x128xi32>
    %select_n3A_106 = arith.select %lt3A_102, %broadcast_in_dim3A_105, %select_n3A_95 : vector<512x128xi1>, vector<512x128xi32>
    %slice3A_107 = vector.extract_strided_slice %dot_general3A_15 {offsets = [0, 1024], sizes = [512, 128], strides = [1, 1]} : vector<512x2816xf32> to vector<512x128xf32>
    %sub3A_108 = vector.broadcast %get3A_6 : vector<512x1xf32> to vector<512x128xf32>
    %sub3A_109 = arith.subf %sub3A_108, %slice3A_107 : vector<512x128xf32>
    %slice3A_110 = vector.extract_strided_slice %get3A_20 {offsets = [0, 1024], sizes = [1, 128], strides = [1, 1]} : vector<1x2816xf32> to vector<1x128xf32>
    %add3A_111 = vector.broadcast %slice3A_110 : vector<1x128xf32> to vector<512x128xf32>
    %add3A_112 = arith.addf %sub3A_109, %add3A_111 : vector<512x128xf32>
    %lt3A_113 = arith.cmpf olt, %add3A_112, %select_n3A_103 : vector<512x128xf32>
    %select_n3A_114 = arith.select %lt3A_113, %add3A_112, %select_n3A_103 : vector<512x128xi1>, vector<512x128xf32>
    %jit3A_115 = arith.constant 8 : i32
    %broadcast_in_dim3A_116 = vector.broadcast %jit3A_115 : i32 to vector<512x128xi32>
    %select_n3A_117 = arith.select %lt3A_113, %broadcast_in_dim3A_116, %select_n3A_106 : vector<512x128xi1>, vector<512x128xi32>
    %slice3A_118 = vector.extract_strided_slice %dot_general3A_15 {offsets = [0, 1152], sizes = [512, 128], strides = [1, 1]} : vector<512x2816xf32> to vector<512x128xf32>
    %sub3A_119 = vector.broadcast %get3A_6 : vector<512x1xf32> to vector<512x128xf32>
    %sub3A_120 = arith.subf %sub3A_119, %slice3A_118 : vector<512x128xf32>
    %slice3A_121 = vector.extract_strided_slice %get3A_20 {offsets = [0, 1152], sizes = [1, 128], strides = [1, 1]} : vector<1x2816xf32> to vector<1x128xf32>
    %add3A_122 = vector.broadcast %slice3A_121 : vector<1x128xf32> to vector<512x128xf32>
    %add3A_123 = arith.addf %sub3A_120, %add3A_122 : vector<512x128xf32>
    %lt3A_124 = arith.cmpf olt, %add3A_123, %select_n3A_114 : vector<512x128xf32>
    %select_n3A_125 = arith.select %lt3A_124, %add3A_123, %select_n3A_114 : vector<512x128xi1>, vector<512x128xf32>
    %jit3A_126 = arith.constant 9 : i32
    %broadcast_in_dim3A_127 = vector.broadcast %jit3A_126 : i32 to vector<512x128xi32>
    %select_n3A_128 = arith.select %lt3A_124, %broadcast_in_dim3A_127, %select_n3A_117 : vector<512x128xi1>, vector<512x128xi32>
    %slice3A_129 = vector.extract_strided_slice %dot_general3A_15 {offsets = [0, 1280], sizes = [512, 128], strides = [1, 1]} : vector<512x2816xf32> to vector<512x128xf32>
    %sub3A_130 = vector.broadcast %get3A_6 : vector<512x1xf32> to vector<512x128xf32>
    %sub3A_131 = arith.subf %sub3A_130, %slice3A_129 : vector<512x128xf32>
    %slice3A_132 = vector.extract_strided_slice %get3A_20 {offsets = [0, 1280], sizes = [1, 128], strides = [1, 1]} : vector<1x2816xf32> to vector<1x128xf32>
    %add3A_133 = vector.broadcast %slice3A_132 : vector<1x128xf32> to vector<512x128xf32>
    %add3A_134 = arith.addf %sub3A_131, %add3A_133 : vector<512x128xf32>
    %lt3A_135 = arith.cmpf olt, %add3A_134, %select_n3A_125 : vector<512x128xf32>
    %select_n3A_136 = arith.select %lt3A_135, %add3A_134, %select_n3A_125 : vector<512x128xi1>, vector<512x128xf32>
    %jit3A_137 = arith.constant 10 : i32
    %broadcast_in_dim3A_138 = vector.broadcast %jit3A_137 : i32 to vector<512x128xi32>
    %select_n3A_139 = arith.select %lt3A_135, %broadcast_in_dim3A_138, %select_n3A_128 : vector<512x128xi1>, vector<512x128xi32>
    %slice3A_140 = vector.extract_strided_slice %dot_general3A_15 {offsets = [0, 1408], sizes = [512, 128], strides = [1, 1]} : vector<512x2816xf32> to vector<512x128xf32>
    %sub3A_141 = vector.broadcast %get3A_6 : vector<512x1xf32> to vector<512x128xf32>
    %sub3A_142 = arith.subf %sub3A_141, %slice3A_140 : vector<512x128xf32>
    %slice3A_143 = vector.extract_strided_slice %get3A_20 {offsets = [0, 1408], sizes = [1, 128], strides = [1, 1]} : vector<1x2816xf32> to vector<1x128xf32>
    %add3A_144 = vector.broadcast %slice3A_143 : vector<1x128xf32> to vector<512x128xf32>
    %add3A_145 = arith.addf %sub3A_142, %add3A_144 : vector<512x128xf32>
    %lt3A_146 = arith.cmpf olt, %add3A_145, %select_n3A_136 : vector<512x128xf32>
    %select_n3A_147 = arith.select %lt3A_146, %add3A_145, %select_n3A_136 : vector<512x128xi1>, vector<512x128xf32>
    %jit3A_148 = arith.constant 11 : i32
    %broadcast_in_dim3A_149 = vector.broadcast %jit3A_148 : i32 to vector<512x128xi32>
    %select_n3A_150 = arith.select %lt3A_146, %broadcast_in_dim3A_149, %select_n3A_139 : vector<512x128xi1>, vector<512x128xi32>
    %slice3A_151 = vector.extract_strided_slice %dot_general3A_15 {offsets = [0, 1536], sizes = [512, 128], strides = [1, 1]} : vector<512x2816xf32> to vector<512x128xf32>
    %sub3A_152 = vector.broadcast %get3A_6 : vector<512x1xf32> to vector<512x128xf32>
    %sub3A_153 = arith.subf %sub3A_152, %slice3A_151 : vector<512x128xf32>
    %slice3A_154 = vector.extract_strided_slice %get3A_20 {offsets = [0, 1536], sizes = [1, 128], strides = [1, 1]} : vector<1x2816xf32> to vector<1x128xf32>
    %add3A_155 = vector.broadcast %slice3A_154 : vector<1x128xf32> to vector<512x128xf32>
    %add3A_156 = arith.addf %sub3A_153, %add3A_155 : vector<512x128xf32>
    %lt3A_157 = arith.cmpf olt, %add3A_156, %select_n3A_147 : vector<512x128xf32>
    %select_n3A_158 = arith.select %lt3A_157, %add3A_156, %select_n3A_147 : vector<512x128xi1>, vector<512x128xf32>
    %jit3A_159 = arith.constant 12 : i32
    %broadcast_in_dim3A_160 = vector.broadcast %jit3A_159 : i32 to vector<512x128xi32>
    %select_n3A_161 = arith.select %lt3A_157, %broadcast_in_dim3A_160, %select_n3A_150 : vector<512x128xi1>, vector<512x128xi32>
    %slice3A_162 = vector.extract_strided_slice %dot_general3A_15 {offsets = [0, 1664], sizes = [512, 128], strides = [1, 1]} : vector<512x2816xf32> to vector<512x128xf32>
    %sub3A_163 = vector.broadcast %get3A_6 : vector<512x1xf32> to vector<512x128xf32>
    %sub3A_164 = arith.subf %sub3A_163, %slice3A_162 : vector<512x128xf32>
    %slice3A_165 = vector.extract_strided_slice %get3A_20 {offsets = [0, 1664], sizes = [1, 128], strides = [1, 1]} : vector<1x2816xf32> to vector<1x128xf32>
    %add3A_166 = vector.broadcast %slice3A_165 : vector<1x128xf32> to vector<512x128xf32>
    %add3A_167 = arith.addf %sub3A_164, %add3A_166 : vector<512x128xf32>
    %lt3A_168 = arith.cmpf olt, %add3A_167, %select_n3A_158 : vector<512x128xf32>
    %select_n3A_169 = arith.select %lt3A_168, %add3A_167, %select_n3A_158 : vector<512x128xi1>, vector<512x128xf32>
    %jit3A_170 = arith.constant 13 : i32
    %broadcast_in_dim3A_171 = vector.broadcast %jit3A_170 : i32 to vector<512x128xi32>
    %select_n3A_172 = arith.select %lt3A_168, %broadcast_in_dim3A_171, %select_n3A_161 : vector<512x128xi1>, vector<512x128xi32>
    %slice3A_173 = vector.extract_strided_slice %dot_general3A_15 {offsets = [0, 1792], sizes = [512, 128], strides = [1, 1]} : vector<512x2816xf32> to vector<512x128xf32>
    %sub3A_174 = vector.broadcast %get3A_6 : vector<512x1xf32> to vector<512x128xf32>
    %sub3A_175 = arith.subf %sub3A_174, %slice3A_173 : vector<512x128xf32>
    %slice3A_176 = vector.extract_strided_slice %get3A_20 {offsets = [0, 1792], sizes = [1, 128], strides = [1, 1]} : vector<1x2816xf32> to vector<1x128xf32>
    %add3A_177 = vector.broadcast %slice3A_176 : vector<1x128xf32> to vector<512x128xf32>
    %add3A_178 = arith.addf %sub3A_175, %add3A_177 : vector<512x128xf32>
    %lt3A_179 = arith.cmpf olt, %add3A_178, %select_n3A_169 : vector<512x128xf32>
    %select_n3A_180 = arith.select %lt3A_179, %add3A_178, %select_n3A_169 : vector<512x128xi1>, vector<512x128xf32>
    %jit3A_181 = arith.constant 14 : i32
    %broadcast_in_dim3A_182 = vector.broadcast %jit3A_181 : i32 to vector<512x128xi32>
    %select_n3A_183 = arith.select %lt3A_179, %broadcast_in_dim3A_182, %select_n3A_172 : vector<512x128xi1>, vector<512x128xi32>
    %slice3A_184 = vector.extract_strided_slice %dot_general3A_15 {offsets = [0, 1920], sizes = [512, 128], strides = [1, 1]} : vector<512x2816xf32> to vector<512x128xf32>
    %sub3A_185 = vector.broadcast %get3A_6 : vector<512x1xf32> to vector<512x128xf32>
    %sub3A_186 = arith.subf %sub3A_185, %slice3A_184 : vector<512x128xf32>
    %slice3A_187 = vector.extract_strided_slice %get3A_20 {offsets = [0, 1920], sizes = [1, 128], strides = [1, 1]} : vector<1x2816xf32> to vector<1x128xf32>
    %add3A_188 = vector.broadcast %slice3A_187 : vector<1x128xf32> to vector<512x128xf32>
    %add3A_189 = arith.addf %sub3A_186, %add3A_188 : vector<512x128xf32>
    %lt3A_190 = arith.cmpf olt, %add3A_189, %select_n3A_180 : vector<512x128xf32>
    %select_n3A_191 = arith.select %lt3A_190, %add3A_189, %select_n3A_180 : vector<512x128xi1>, vector<512x128xf32>
    %jit3A_192 = arith.constant 15 : i32
    %broadcast_in_dim3A_193 = vector.broadcast %jit3A_192 : i32 to vector<512x128xi32>
    %select_n3A_194 = arith.select %lt3A_190, %broadcast_in_dim3A_193, %select_n3A_183 : vector<512x128xi1>, vector<512x128xi32>
    %slice3A_195 = vector.extract_strided_slice %dot_general3A_15 {offsets = [0, 2048], sizes = [512, 128], strides = [1, 1]} : vector<512x2816xf32> to vector<512x128xf32>
    %sub3A_196 = vector.broadcast %get3A_6 : vector<512x1xf32> to vector<512x128xf32>
    %sub3A_197 = arith.subf %sub3A_196, %slice3A_195 : vector<512x128xf32>
    %slice3A_198 = vector.extract_strided_slice %get3A_20 {offsets = [0, 2048], sizes = [1, 128], strides = [1, 1]} : vector<1x2816xf32> to vector<1x128xf32>
    %add3A_199 = vector.broadcast %slice3A_198 : vector<1x128xf32> to vector<512x128xf32>
    %add3A_200 = arith.addf %sub3A_197, %add3A_199 : vector<512x128xf32>
    %lt3A_201 = arith.cmpf olt, %add3A_200, %select_n3A_191 : vector<512x128xf32>
    %select_n3A_202 = arith.select %lt3A_201, %add3A_200, %select_n3A_191 : vector<512x128xi1>, vector<512x128xf32>
    %jit3A_203 = arith.constant 16 : i32
    %broadcast_in_dim3A_204 = vector.broadcast %jit3A_203 : i32 to vector<512x128xi32>
    %select_n3A_205 = arith.select %lt3A_201, %broadcast_in_dim3A_204, %select_n3A_194 : vector<512x128xi1>, vector<512x128xi32>
    %slice3A_206 = vector.extract_strided_slice %dot_general3A_15 {offsets = [0, 2176], sizes = [512, 128], strides = [1, 1]} : vector<512x2816xf32> to vector<512x128xf32>
    %sub3A_207 = vector.broadcast %get3A_6 : vector<512x1xf32> to vector<512x128xf32>
    %sub3A_208 = arith.subf %sub3A_207, %slice3A_206 : vector<512x128xf32>
    %slice3A_209 = vector.extract_strided_slice %get3A_20 {offsets = [0, 2176], sizes = [1, 128], strides = [1, 1]} : vector<1x2816xf32> to vector<1x128xf32>
    %add3A_210 = vector.broadcast %slice3A_209 : vector<1x128xf32> to vector<512x128xf32>
    %add3A_211 = arith.addf %sub3A_208, %add3A_210 : vector<512x128xf32>
    %lt3A_212 = arith.cmpf olt, %add3A_211, %select_n3A_202 : vector<512x128xf32>
    %select_n3A_213 = arith.select %lt3A_212, %add3A_211, %select_n3A_202 : vector<512x128xi1>, vector<512x128xf32>
    %jit3A_214 = arith.constant 17 : i32
    %broadcast_in_dim3A_215 = vector.broadcast %jit3A_214 : i32 to vector<512x128xi32>
    %select_n3A_216 = arith.select %lt3A_212, %broadcast_in_dim3A_215, %select_n3A_205 : vector<512x128xi1>, vector<512x128xi32>
    %slice3A_217 = vector.extract_strided_slice %dot_general3A_15 {offsets = [0, 2304], sizes = [512, 128], strides = [1, 1]} : vector<512x2816xf32> to vector<512x128xf32>
    %sub3A_218 = vector.broadcast %get3A_6 : vector<512x1xf32> to vector<512x128xf32>
    %sub3A_219 = arith.subf %sub3A_218, %slice3A_217 : vector<512x128xf32>
    %slice3A_220 = vector.extract_strided_slice %get3A_20 {offsets = [0, 2304], sizes = [1, 128], strides = [1, 1]} : vector<1x2816xf32> to vector<1x128xf32>
    %add3A_221 = vector.broadcast %slice3A_220 : vector<1x128xf32> to vector<512x128xf32>
    %add3A_222 = arith.addf %sub3A_219, %add3A_221 : vector<512x128xf32>
    %lt3A_223 = arith.cmpf olt, %add3A_222, %select_n3A_213 : vector<512x128xf32>
    %select_n3A_224 = arith.select %lt3A_223, %add3A_222, %select_n3A_213 : vector<512x128xi1>, vector<512x128xf32>
    %jit3A_225 = arith.constant 18 : i32
    %broadcast_in_dim3A_226 = vector.broadcast %jit3A_225 : i32 to vector<512x128xi32>
    %select_n3A_227 = arith.select %lt3A_223, %broadcast_in_dim3A_226, %select_n3A_216 : vector<512x128xi1>, vector<512x128xi32>
    %slice3A_228 = vector.extract_strided_slice %dot_general3A_15 {offsets = [0, 2432], sizes = [512, 128], strides = [1, 1]} : vector<512x2816xf32> to vector<512x128xf32>
    %sub3A_229 = vector.broadcast %get3A_6 : vector<512x1xf32> to vector<512x128xf32>
    %sub3A_230 = arith.subf %sub3A_229, %slice3A_228 : vector<512x128xf32>
    %slice3A_231 = vector.extract_strided_slice %get3A_20 {offsets = [0, 2432], sizes = [1, 128], strides = [1, 1]} : vector<1x2816xf32> to vector<1x128xf32>
    %add3A_232 = vector.broadcast %slice3A_231 : vector<1x128xf32> to vector<512x128xf32>
    %add3A_233 = arith.addf %sub3A_230, %add3A_232 : vector<512x128xf32>
    %lt3A_234 = arith.cmpf olt, %add3A_233, %select_n3A_224 : vector<512x128xf32>
    %select_n3A_235 = arith.select %lt3A_234, %add3A_233, %select_n3A_224 : vector<512x128xi1>, vector<512x128xf32>
    %jit3A_236 = arith.constant 19 : i32
    %broadcast_in_dim3A_237 = vector.broadcast %jit3A_236 : i32 to vector<512x128xi32>
    %select_n3A_238 = arith.select %lt3A_234, %broadcast_in_dim3A_237, %select_n3A_227 : vector<512x128xi1>, vector<512x128xi32>
    %slice3A_239 = vector.extract_strided_slice %dot_general3A_15 {offsets = [0, 2560], sizes = [512, 128], strides = [1, 1]} : vector<512x2816xf32> to vector<512x128xf32>
    %sub3A_240 = vector.broadcast %get3A_6 : vector<512x1xf32> to vector<512x128xf32>
    %sub3A_241 = arith.subf %sub3A_240, %slice3A_239 : vector<512x128xf32>
    %slice3A_242 = vector.extract_strided_slice %get3A_20 {offsets = [0, 2560], sizes = [1, 128], strides = [1, 1]} : vector<1x2816xf32> to vector<1x128xf32>
    %add3A_243 = vector.broadcast %slice3A_242 : vector<1x128xf32> to vector<512x128xf32>
    %add3A_244 = arith.addf %sub3A_241, %add3A_243 : vector<512x128xf32>
    %lt3A_245 = arith.cmpf olt, %add3A_244, %select_n3A_235 : vector<512x128xf32>
    %select_n3A_246 = arith.select %lt3A_245, %add3A_244, %select_n3A_235 : vector<512x128xi1>, vector<512x128xf32>
    %jit3A_247 = arith.constant 20 : i32
    %broadcast_in_dim3A_248 = vector.broadcast %jit3A_247 : i32 to vector<512x128xi32>
    %select_n3A_249 = arith.select %lt3A_245, %broadcast_in_dim3A_248, %select_n3A_238 : vector<512x128xi1>, vector<512x128xi32>
    %slice3A_250 = vector.extract_strided_slice %dot_general3A_15 {offsets = [0, 2688], sizes = [512, 128], strides = [1, 1]} : vector<512x2816xf32> to vector<512x128xf32>
    %sub3A_251 = vector.broadcast %get3A_6 : vector<512x1xf32> to vector<512x128xf32>
    %sub3A_252 = arith.subf %sub3A_251, %slice3A_250 : vector<512x128xf32>
    %slice3A_253 = vector.extract_strided_slice %get3A_20 {offsets = [0, 2688], sizes = [1, 128], strides = [1, 1]} : vector<1x2816xf32> to vector<1x128xf32>
    %add3A_254 = vector.broadcast %slice3A_253 : vector<1x128xf32> to vector<512x128xf32>
    %add3A_255 = arith.addf %sub3A_252, %add3A_254 : vector<512x128xf32>
    %lt3A_256 = arith.cmpf olt, %add3A_255, %select_n3A_246 : vector<512x128xf32>
    %select_n3A_257 = arith.select %lt3A_256, %add3A_255, %select_n3A_246 : vector<512x128xi1>, vector<512x128xf32>
    %jit3A_258 = arith.constant 21 : i32
    %broadcast_in_dim3A_259 = vector.broadcast %jit3A_258 : i32 to vector<512x128xi32>
    %select_n3A_260 = arith.select %lt3A_256, %broadcast_in_dim3A_259, %select_n3A_249 : vector<512x128xi1>, vector<512x128xi32>
    %reduce_min3A = arith.constant dense<0x7F800000> : vector<512xf32>
    %reduce_min3A_261 = vector.multi_reduction <minimumf>, %select_n3A_257, %reduce_min3A [1] : vector<512x128xf32> to vector<512xf32>
    %broadcast_in_dim3A_262 = vector.shape_cast %reduce_min3A_261 : vector<512xf32> to vector<512x1xf32>
    %eq3A = vector.broadcast %broadcast_in_dim3A_262 : vector<512x1xf32> to vector<512x128xf32>
    %eq3A_263 = arith.cmpf oeq, %select_n3A_257, %eq3A : vector<512x128xf32>
    %mul3A_264 = arith.constant 128 : i32
    %mul3A_265 = vector.broadcast %mul3A_264 : i32 to vector<512x128xi32>
    %mul3A_266 = arith.muli %select_n3A_260, %mul3A_265 : vector<512x128xi32>
    %add3A_267 = arith.addi %mul3A_266, %iota3A : vector<512x128xi32>
    %add3A_268 = arith.constant 0 : i32
    %add3A_269 = vector.broadcast %add3A_268 : i32 to vector<512x128xi32>
    %add3A_270 = arith.addi %add3A_267, %add3A_269 : vector<512x128xi32>
    %jit3A_271 = arith.constant 8192 : i32
    %broadcast_in_dim3A_272 = vector.broadcast %jit3A_271 : i32 to vector<512x128xi32>
    %select_n3A_273 = arith.select %eq3A_263, %add3A_270, %broadcast_in_dim3A_272 : vector<512x128xi1>, vector<512x128xi32>
    %reduce_min3A_274 = arith.constant dense<2147483647> : vector<512xi32>
    %reduce_min3A_275 = vector.multi_reduction <minsi>, %select_n3A_273, %reduce_min3A_274 [1] : vector<512x128xi32> to vector<512xi32>
    %broadcast_in_dim3A_276 = vector.shape_cast %reduce_min3A_275 : vector<512xi32> to vector<512x1xi32>
    %lt3A_277 = arith.cmpf olt, %broadcast_in_dim3A_262, %broadcast_in_dim3A_7 : vector<512x1xf32>
    %convert_element_type3A_278 = arith.truncf %broadcast_in_dim3A_262 : vector<512x1xf32> to vector<512x1xbf16>
    %convert_element_type3A_279 = arith.extf %convert_element_type3A_278 : vector<512x1xbf16> to vector<512x1xf32>
    %select_n3A_280 = arith.select %lt3A_277, %convert_element_type3A_279, %broadcast_in_dim3A_7 : vector<512x1xi1>, vector<512x1xf32>
    %select_n3A_281 = arith.select %lt3A_277, %broadcast_in_dim3A_276, %broadcast_in_dim3A_9 : vector<512x1xi1>, vector<512x1xi32>
    %get3A_282 = arith.constant 1 : index
    %get3A_283 = arith.constant 0 : index
    %get3A_284 = arith.constant 0 : index
    %get3A_285 = vector.load %arg3[%get3A_282, %get3A_283, %get3A_284] : memref<3x2816x256xbf16, #tpu.memory_space<vmem>>, vector<1x2816x256xbf16>
    %get3A_286 = vector.shape_cast %get3A_285 : vector<1x2816x256xbf16> to vector<2816x256xbf16>
    %dot_general3A_287 = arith.constant dense<0.000000e+00> : vector<512x2816xf32>
    %dot_general3A_288 = tpu.matmul %convert_element_type3A, %get3A_286, %dot_general3A_287 {dimension_numbers = #tpu.dot_dimension_numbers<[1], [1], [0], [0], [0, 0, 1, 0], [], []>, transpose_lhs_hint = false} : vector<512x256xbf16>, vector<2816x256xbf16>, vector<512x2816xf32> -> vector<512x2816xf32>
    %get3A_289 = arith.constant 1 : index
    %get3A_290 = arith.constant 0 : index
    %get3A_291 = arith.constant 0 : index
    %get3A_292 = vector.load %arg4[%get3A_289, %get3A_290, %get3A_291] : memref<3x1x2816xf32, #tpu.memory_space<vmem>>, vector<1x1x2816xf32>
    %get3A_293 = vector.shape_cast %get3A_292 : vector<1x1x2816xf32> to vector<1x2816xf32>
    %broadcast_in_dim3A_294 = arith.constant 0x7F800000 : f32
    %broadcast_in_dim3A_295 = vector.broadcast %broadcast_in_dim3A_294 : f32 to vector<512x128xf32>
    %broadcast_in_dim3A_296 = arith.constant 0 : i32
    %broadcast_in_dim3A_297 = vector.broadcast %broadcast_in_dim3A_296 : i32 to vector<512x128xi32>
    %slice3A_298 = vector.extract_strided_slice %dot_general3A_288 {offsets = [0, 0], sizes = [512, 128], strides = [1, 1]} : vector<512x2816xf32> to vector<512x128xf32>
    %sub3A_299 = vector.broadcast %get3A_6 : vector<512x1xf32> to vector<512x128xf32>
    %sub3A_300 = arith.subf %sub3A_299, %slice3A_298 : vector<512x128xf32>
    %slice3A_301 = vector.extract_strided_slice %get3A_293 {offsets = [0, 0], sizes = [1, 128], strides = [1, 1]} : vector<1x2816xf32> to vector<1x128xf32>
    %add3A_302 = vector.broadcast %slice3A_301 : vector<1x128xf32> to vector<512x128xf32>
    %add3A_303 = arith.addf %sub3A_300, %add3A_302 : vector<512x128xf32>
    %lt3A_304 = arith.cmpf olt, %add3A_303, %broadcast_in_dim3A_295 : vector<512x128xf32>
    %select_n3A_305 = arith.select %lt3A_304, %add3A_303, %broadcast_in_dim3A_295 : vector<512x128xi1>, vector<512x128xf32>
    %jit3A_306 = arith.constant 0 : i32
    %broadcast_in_dim3A_307 = vector.broadcast %jit3A_306 : i32 to vector<512x128xi32>
    %select_n3A_308 = arith.select %lt3A_304, %broadcast_in_dim3A_307, %broadcast_in_dim3A_297 : vector<512x128xi1>, vector<512x128xi32>
    %slice3A_309 = vector.extract_strided_slice %dot_general3A_288 {offsets = [0, 128], sizes = [512, 128], strides = [1, 1]} : vector<512x2816xf32> to vector<512x128xf32>
    %sub3A_310 = vector.broadcast %get3A_6 : vector<512x1xf32> to vector<512x128xf32>
    %sub3A_311 = arith.subf %sub3A_310, %slice3A_309 : vector<512x128xf32>
    %slice3A_312 = vector.extract_strided_slice %get3A_293 {offsets = [0, 128], sizes = [1, 128], strides = [1, 1]} : vector<1x2816xf32> to vector<1x128xf32>
    %add3A_313 = vector.broadcast %slice3A_312 : vector<1x128xf32> to vector<512x128xf32>
    %add3A_314 = arith.addf %sub3A_311, %add3A_313 : vector<512x128xf32>
    %lt3A_315 = arith.cmpf olt, %add3A_314, %select_n3A_305 : vector<512x128xf32>
    %select_n3A_316 = arith.select %lt3A_315, %add3A_314, %select_n3A_305 : vector<512x128xi1>, vector<512x128xf32>
    %jit3A_317 = arith.constant 1 : i32
    %broadcast_in_dim3A_318 = vector.broadcast %jit3A_317 : i32 to vector<512x128xi32>
    %select_n3A_319 = arith.select %lt3A_315, %broadcast_in_dim3A_318, %select_n3A_308 : vector<512x128xi1>, vector<512x128xi32>
    %slice3A_320 = vector.extract_strided_slice %dot_general3A_288 {offsets = [0, 256], sizes = [512, 128], strides = [1, 1]} : vector<512x2816xf32> to vector<512x128xf32>
    %sub3A_321 = vector.broadcast %get3A_6 : vector<512x1xf32> to vector<512x128xf32>
    %sub3A_322 = arith.subf %sub3A_321, %slice3A_320 : vector<512x128xf32>
    %slice3A_323 = vector.extract_strided_slice %get3A_293 {offsets = [0, 256], sizes = [1, 128], strides = [1, 1]} : vector<1x2816xf32> to vector<1x128xf32>
    %add3A_324 = vector.broadcast %slice3A_323 : vector<1x128xf32> to vector<512x128xf32>
    %add3A_325 = arith.addf %sub3A_322, %add3A_324 : vector<512x128xf32>
    %lt3A_326 = arith.cmpf olt, %add3A_325, %select_n3A_316 : vector<512x128xf32>
    %select_n3A_327 = arith.select %lt3A_326, %add3A_325, %select_n3A_316 : vector<512x128xi1>, vector<512x128xf32>
    %jit3A_328 = arith.constant 2 : i32
    %broadcast_in_dim3A_329 = vector.broadcast %jit3A_328 : i32 to vector<512x128xi32>
    %select_n3A_330 = arith.select %lt3A_326, %broadcast_in_dim3A_329, %select_n3A_319 : vector<512x128xi1>, vector<512x128xi32>
    %slice3A_331 = vector.extract_strided_slice %dot_general3A_288 {offsets = [0, 384], sizes = [512, 128], strides = [1, 1]} : vector<512x2816xf32> to vector<512x128xf32>
    %sub3A_332 = vector.broadcast %get3A_6 : vector<512x1xf32> to vector<512x128xf32>
    %sub3A_333 = arith.subf %sub3A_332, %slice3A_331 : vector<512x128xf32>
    %slice3A_334 = vector.extract_strided_slice %get3A_293 {offsets = [0, 384], sizes = [1, 128], strides = [1, 1]} : vector<1x2816xf32> to vector<1x128xf32>
    %add3A_335 = vector.broadcast %slice3A_334 : vector<1x128xf32> to vector<512x128xf32>
    %add3A_336 = arith.addf %sub3A_333, %add3A_335 : vector<512x128xf32>
    %lt3A_337 = arith.cmpf olt, %add3A_336, %select_n3A_327 : vector<512x128xf32>
    %select_n3A_338 = arith.select %lt3A_337, %add3A_336, %select_n3A_327 : vector<512x128xi1>, vector<512x128xf32>
    %jit3A_339 = arith.constant 3 : i32
    %broadcast_in_dim3A_340 = vector.broadcast %jit3A_339 : i32 to vector<512x128xi32>
    %select_n3A_341 = arith.select %lt3A_337, %broadcast_in_dim3A_340, %select_n3A_330 : vector<512x128xi1>, vector<512x128xi32>
    %slice3A_342 = vector.extract_strided_slice %dot_general3A_288 {offsets = [0, 512], sizes = [512, 128], strides = [1, 1]} : vector<512x2816xf32> to vector<512x128xf32>
    %sub3A_343 = vector.broadcast %get3A_6 : vector<512x1xf32> to vector<512x128xf32>
    %sub3A_344 = arith.subf %sub3A_343, %slice3A_342 : vector<512x128xf32>
    %slice3A_345 = vector.extract_strided_slice %get3A_293 {offsets = [0, 512], sizes = [1, 128], strides = [1, 1]} : vector<1x2816xf32> to vector<1x128xf32>
    %add3A_346 = vector.broadcast %slice3A_345 : vector<1x128xf32> to vector<512x128xf32>
    %add3A_347 = arith.addf %sub3A_344, %add3A_346 : vector<512x128xf32>
    %lt3A_348 = arith.cmpf olt, %add3A_347, %select_n3A_338 : vector<512x128xf32>
    %select_n3A_349 = arith.select %lt3A_348, %add3A_347, %select_n3A_338 : vector<512x128xi1>, vector<512x128xf32>
    %jit3A_350 = arith.constant 4 : i32
    %broadcast_in_dim3A_351 = vector.broadcast %jit3A_350 : i32 to vector<512x128xi32>
    %select_n3A_352 = arith.select %lt3A_348, %broadcast_in_dim3A_351, %select_n3A_341 : vector<512x128xi1>, vector<512x128xi32>
    %slice3A_353 = vector.extract_strided_slice %dot_general3A_288 {offsets = [0, 640], sizes = [512, 128], strides = [1, 1]} : vector<512x2816xf32> to vector<512x128xf32>
    %sub3A_354 = vector.broadcast %get3A_6 : vector<512x1xf32> to vector<512x128xf32>
    %sub3A_355 = arith.subf %sub3A_354, %slice3A_353 : vector<512x128xf32>
    %slice3A_356 = vector.extract_strided_slice %get3A_293 {offsets = [0, 640], sizes = [1, 128], strides = [1, 1]} : vector<1x2816xf32> to vector<1x128xf32>
    %add3A_357 = vector.broadcast %slice3A_356 : vector<1x128xf32> to vector<512x128xf32>
    %add3A_358 = arith.addf %sub3A_355, %add3A_357 : vector<512x128xf32>
    %lt3A_359 = arith.cmpf olt, %add3A_358, %select_n3A_349 : vector<512x128xf32>
    %select_n3A_360 = arith.select %lt3A_359, %add3A_358, %select_n3A_349 : vector<512x128xi1>, vector<512x128xf32>
    %jit3A_361 = arith.constant 5 : i32
    %broadcast_in_dim3A_362 = vector.broadcast %jit3A_361 : i32 to vector<512x128xi32>
    %select_n3A_363 = arith.select %lt3A_359, %broadcast_in_dim3A_362, %select_n3A_352 : vector<512x128xi1>, vector<512x128xi32>
    %slice3A_364 = vector.extract_strided_slice %dot_general3A_288 {offsets = [0, 768], sizes = [512, 128], strides = [1, 1]} : vector<512x2816xf32> to vector<512x128xf32>
    %sub3A_365 = vector.broadcast %get3A_6 : vector<512x1xf32> to vector<512x128xf32>
    %sub3A_366 = arith.subf %sub3A_365, %slice3A_364 : vector<512x128xf32>
    %slice3A_367 = vector.extract_strided_slice %get3A_293 {offsets = [0, 768], sizes = [1, 128], strides = [1, 1]} : vector<1x2816xf32> to vector<1x128xf32>
    %add3A_368 = vector.broadcast %slice3A_367 : vector<1x128xf32> to vector<512x128xf32>
    %add3A_369 = arith.addf %sub3A_366, %add3A_368 : vector<512x128xf32>
    %lt3A_370 = arith.cmpf olt, %add3A_369, %select_n3A_360 : vector<512x128xf32>
    %select_n3A_371 = arith.select %lt3A_370, %add3A_369, %select_n3A_360 : vector<512x128xi1>, vector<512x128xf32>
    %jit3A_372 = arith.constant 6 : i32
    %broadcast_in_dim3A_373 = vector.broadcast %jit3A_372 : i32 to vector<512x128xi32>
    %select_n3A_374 = arith.select %lt3A_370, %broadcast_in_dim3A_373, %select_n3A_363 : vector<512x128xi1>, vector<512x128xi32>
    %slice3A_375 = vector.extract_strided_slice %dot_general3A_288 {offsets = [0, 896], sizes = [512, 128], strides = [1, 1]} : vector<512x2816xf32> to vector<512x128xf32>
    %sub3A_376 = vector.broadcast %get3A_6 : vector<512x1xf32> to vector<512x128xf32>
    %sub3A_377 = arith.subf %sub3A_376, %slice3A_375 : vector<512x128xf32>
    %slice3A_378 = vector.extract_strided_slice %get3A_293 {offsets = [0, 896], sizes = [1, 128], strides = [1, 1]} : vector<1x2816xf32> to vector<1x128xf32>
    %add3A_379 = vector.broadcast %slice3A_378 : vector<1x128xf32> to vector<512x128xf32>
    %add3A_380 = arith.addf %sub3A_377, %add3A_379 : vector<512x128xf32>
    %lt3A_381 = arith.cmpf olt, %add3A_380, %select_n3A_371 : vector<512x128xf32>
    %select_n3A_382 = arith.select %lt3A_381, %add3A_380, %select_n3A_371 : vector<512x128xi1>, vector<512x128xf32>
    %jit3A_383 = arith.constant 7 : i32
    %broadcast_in_dim3A_384 = vector.broadcast %jit3A_383 : i32 to vector<512x128xi32>
    %select_n3A_385 = arith.select %lt3A_381, %broadcast_in_dim3A_384, %select_n3A_374 : vector<512x128xi1>, vector<512x128xi32>
    %slice3A_386 = vector.extract_strided_slice %dot_general3A_288 {offsets = [0, 1024], sizes = [512, 128], strides = [1, 1]} : vector<512x2816xf32> to vector<512x128xf32>
    %sub3A_387 = vector.broadcast %get3A_6 : vector<512x1xf32> to vector<512x128xf32>
    %sub3A_388 = arith.subf %sub3A_387, %slice3A_386 : vector<512x128xf32>
    %slice3A_389 = vector.extract_strided_slice %get3A_293 {offsets = [0, 1024], sizes = [1, 128], strides = [1, 1]} : vector<1x2816xf32> to vector<1x128xf32>
    %add3A_390 = vector.broadcast %slice3A_389 : vector<1x128xf32> to vector<512x128xf32>
    %add3A_391 = arith.addf %sub3A_388, %add3A_390 : vector<512x128xf32>
    %lt3A_392 = arith.cmpf olt, %add3A_391, %select_n3A_382 : vector<512x128xf32>
    %select_n3A_393 = arith.select %lt3A_392, %add3A_391, %select_n3A_382 : vector<512x128xi1>, vector<512x128xf32>
    %jit3A_394 = arith.constant 8 : i32
    %broadcast_in_dim3A_395 = vector.broadcast %jit3A_394 : i32 to vector<512x128xi32>
    %select_n3A_396 = arith.select %lt3A_392, %broadcast_in_dim3A_395, %select_n3A_385 : vector<512x128xi1>, vector<512x128xi32>
    %slice3A_397 = vector.extract_strided_slice %dot_general3A_288 {offsets = [0, 1152], sizes = [512, 128], strides = [1, 1]} : vector<512x2816xf32> to vector<512x128xf32>
    %sub3A_398 = vector.broadcast %get3A_6 : vector<512x1xf32> to vector<512x128xf32>
    %sub3A_399 = arith.subf %sub3A_398, %slice3A_397 : vector<512x128xf32>
    %slice3A_400 = vector.extract_strided_slice %get3A_293 {offsets = [0, 1152], sizes = [1, 128], strides = [1, 1]} : vector<1x2816xf32> to vector<1x128xf32>
    %add3A_401 = vector.broadcast %slice3A_400 : vector<1x128xf32> to vector<512x128xf32>
    %add3A_402 = arith.addf %sub3A_399, %add3A_401 : vector<512x128xf32>
    %lt3A_403 = arith.cmpf olt, %add3A_402, %select_n3A_393 : vector<512x128xf32>
    %select_n3A_404 = arith.select %lt3A_403, %add3A_402, %select_n3A_393 : vector<512x128xi1>, vector<512x128xf32>
    %jit3A_405 = arith.constant 9 : i32
    %broadcast_in_dim3A_406 = vector.broadcast %jit3A_405 : i32 to vector<512x128xi32>
    %select_n3A_407 = arith.select %lt3A_403, %broadcast_in_dim3A_406, %select_n3A_396 : vector<512x128xi1>, vector<512x128xi32>
    %slice3A_408 = vector.extract_strided_slice %dot_general3A_288 {offsets = [0, 1280], sizes = [512, 128], strides = [1, 1]} : vector<512x2816xf32> to vector<512x128xf32>
    %sub3A_409 = vector.broadcast %get3A_6 : vector<512x1xf32> to vector<512x128xf32>
    %sub3A_410 = arith.subf %sub3A_409, %slice3A_408 : vector<512x128xf32>
    %slice3A_411 = vector.extract_strided_slice %get3A_293 {offsets = [0, 1280], sizes = [1, 128], strides = [1, 1]} : vector<1x2816xf32> to vector<1x128xf32>
    %add3A_412 = vector.broadcast %slice3A_411 : vector<1x128xf32> to vector<512x128xf32>
    %add3A_413 = arith.addf %sub3A_410, %add3A_412 : vector<512x128xf32>
    %lt3A_414 = arith.cmpf olt, %add3A_413, %select_n3A_404 : vector<512x128xf32>
    %select_n3A_415 = arith.select %lt3A_414, %add3A_413, %select_n3A_404 : vector<512x128xi1>, vector<512x128xf32>
    %jit3A_416 = arith.constant 10 : i32
    %broadcast_in_dim3A_417 = vector.broadcast %jit3A_416 : i32 to vector<512x128xi32>
    %select_n3A_418 = arith.select %lt3A_414, %broadcast_in_dim3A_417, %select_n3A_407 : vector<512x128xi1>, vector<512x128xi32>
    %slice3A_419 = vector.extract_strided_slice %dot_general3A_288 {offsets = [0, 1408], sizes = [512, 128], strides = [1, 1]} : vector<512x2816xf32> to vector<512x128xf32>
    %sub3A_420 = vector.broadcast %get3A_6 : vector<512x1xf32> to vector<512x128xf32>
    %sub3A_421 = arith.subf %sub3A_420, %slice3A_419 : vector<512x128xf32>
    %slice3A_422 = vector.extract_strided_slice %get3A_293 {offsets = [0, 1408], sizes = [1, 128], strides = [1, 1]} : vector<1x2816xf32> to vector<1x128xf32>
    %add3A_423 = vector.broadcast %slice3A_422 : vector<1x128xf32> to vector<512x128xf32>
    %add3A_424 = arith.addf %sub3A_421, %add3A_423 : vector<512x128xf32>
    %lt3A_425 = arith.cmpf olt, %add3A_424, %select_n3A_415 : vector<512x128xf32>
    %select_n3A_426 = arith.select %lt3A_425, %add3A_424, %select_n3A_415 : vector<512x128xi1>, vector<512x128xf32>
    %jit3A_427 = arith.constant 11 : i32
    %broadcast_in_dim3A_428 = vector.broadcast %jit3A_427 : i32 to vector<512x128xi32>
    %select_n3A_429 = arith.select %lt3A_425, %broadcast_in_dim3A_428, %select_n3A_418 : vector<512x128xi1>, vector<512x128xi32>
    %slice3A_430 = vector.extract_strided_slice %dot_general3A_288 {offsets = [0, 1536], sizes = [512, 128], strides = [1, 1]} : vector<512x2816xf32> to vector<512x128xf32>
    %sub3A_431 = vector.broadcast %get3A_6 : vector<512x1xf32> to vector<512x128xf32>
    %sub3A_432 = arith.subf %sub3A_431, %slice3A_430 : vector<512x128xf32>
    %slice3A_433 = vector.extract_strided_slice %get3A_293 {offsets = [0, 1536], sizes = [1, 128], strides = [1, 1]} : vector<1x2816xf32> to vector<1x128xf32>
    %add3A_434 = vector.broadcast %slice3A_433 : vector<1x128xf32> to vector<512x128xf32>
    %add3A_435 = arith.addf %sub3A_432, %add3A_434 : vector<512x128xf32>
    %lt3A_436 = arith.cmpf olt, %add3A_435, %select_n3A_426 : vector<512x128xf32>
    %select_n3A_437 = arith.select %lt3A_436, %add3A_435, %select_n3A_426 : vector<512x128xi1>, vector<512x128xf32>
    %jit3A_438 = arith.constant 12 : i32
    %broadcast_in_dim3A_439 = vector.broadcast %jit3A_438 : i32 to vector<512x128xi32>
    %select_n3A_440 = arith.select %lt3A_436, %broadcast_in_dim3A_439, %select_n3A_429 : vector<512x128xi1>, vector<512x128xi32>
    %slice3A_441 = vector.extract_strided_slice %dot_general3A_288 {offsets = [0, 1664], sizes = [512, 128], strides = [1, 1]} : vector<512x2816xf32> to vector<512x128xf32>
    %sub3A_442 = vector.broadcast %get3A_6 : vector<512x1xf32> to vector<512x128xf32>
    %sub3A_443 = arith.subf %sub3A_442, %slice3A_441 : vector<512x128xf32>
    %slice3A_444 = vector.extract_strided_slice %get3A_293 {offsets = [0, 1664], sizes = [1, 128], strides = [1, 1]} : vector<1x2816xf32> to vector<1x128xf32>
    %add3A_445 = vector.broadcast %slice3A_444 : vector<1x128xf32> to vector<512x128xf32>
    %add3A_446 = arith.addf %sub3A_443, %add3A_445 : vector<512x128xf32>
    %lt3A_447 = arith.cmpf olt, %add3A_446, %select_n3A_437 : vector<512x128xf32>
    %select_n3A_448 = arith.select %lt3A_447, %add3A_446, %select_n3A_437 : vector<512x128xi1>, vector<512x128xf32>
    %jit3A_449 = arith.constant 13 : i32
    %broadcast_in_dim3A_450 = vector.broadcast %jit3A_449 : i32 to vector<512x128xi32>
    %select_n3A_451 = arith.select %lt3A_447, %broadcast_in_dim3A_450, %select_n3A_440 : vector<512x128xi1>, vector<512x128xi32>
    %slice3A_452 = vector.extract_strided_slice %dot_general3A_288 {offsets = [0, 1792], sizes = [512, 128], strides = [1, 1]} : vector<512x2816xf32> to vector<512x128xf32>
    %sub3A_453 = vector.broadcast %get3A_6 : vector<512x1xf32> to vector<512x128xf32>
    %sub3A_454 = arith.subf %sub3A_453, %slice3A_452 : vector<512x128xf32>
    %slice3A_455 = vector.extract_strided_slice %get3A_293 {offsets = [0, 1792], sizes = [1, 128], strides = [1, 1]} : vector<1x2816xf32> to vector<1x128xf32>
    %add3A_456 = vector.broadcast %slice3A_455 : vector<1x128xf32> to vector<512x128xf32>
    %add3A_457 = arith.addf %sub3A_454, %add3A_456 : vector<512x128xf32>
    %lt3A_458 = arith.cmpf olt, %add3A_457, %select_n3A_448 : vector<512x128xf32>
    %select_n3A_459 = arith.select %lt3A_458, %add3A_457, %select_n3A_448 : vector<512x128xi1>, vector<512x128xf32>
    %jit3A_460 = arith.constant 14 : i32
    %broadcast_in_dim3A_461 = vector.broadcast %jit3A_460 : i32 to vector<512x128xi32>
    %select_n3A_462 = arith.select %lt3A_458, %broadcast_in_dim3A_461, %select_n3A_451 : vector<512x128xi1>, vector<512x128xi32>
    %slice3A_463 = vector.extract_strided_slice %dot_general3A_288 {offsets = [0, 1920], sizes = [512, 128], strides = [1, 1]} : vector<512x2816xf32> to vector<512x128xf32>
    %sub3A_464 = vector.broadcast %get3A_6 : vector<512x1xf32> to vector<512x128xf32>
    %sub3A_465 = arith.subf %sub3A_464, %slice3A_463 : vector<512x128xf32>
    %slice3A_466 = vector.extract_strided_slice %get3A_293 {offsets = [0, 1920], sizes = [1, 128], strides = [1, 1]} : vector<1x2816xf32> to vector<1x128xf32>
    %add3A_467 = vector.broadcast %slice3A_466 : vector<1x128xf32> to vector<512x128xf32>
    %add3A_468 = arith.addf %sub3A_465, %add3A_467 : vector<512x128xf32>
    %lt3A_469 = arith.cmpf olt, %add3A_468, %select_n3A_459 : vector<512x128xf32>
    %select_n3A_470 = arith.select %lt3A_469, %add3A_468, %select_n3A_459 : vector<512x128xi1>, vector<512x128xf32>
    %jit3A_471 = arith.constant 15 : i32
    %broadcast_in_dim3A_472 = vector.broadcast %jit3A_471 : i32 to vector<512x128xi32>
    %select_n3A_473 = arith.select %lt3A_469, %broadcast_in_dim3A_472, %select_n3A_462 : vector<512x128xi1>, vector<512x128xi32>
    %slice3A_474 = vector.extract_strided_slice %dot_general3A_288 {offsets = [0, 2048], sizes = [512, 128], strides = [1, 1]} : vector<512x2816xf32> to vector<512x128xf32>
    %sub3A_475 = vector.broadcast %get3A_6 : vector<512x1xf32> to vector<512x128xf32>
    %sub3A_476 = arith.subf %sub3A_475, %slice3A_474 : vector<512x128xf32>
    %slice3A_477 = vector.extract_strided_slice %get3A_293 {offsets = [0, 2048], sizes = [1, 128], strides = [1, 1]} : vector<1x2816xf32> to vector<1x128xf32>
    %add3A_478 = vector.broadcast %slice3A_477 : vector<1x128xf32> to vector<512x128xf32>
    %add3A_479 = arith.addf %sub3A_476, %add3A_478 : vector<512x128xf32>
    %lt3A_480 = arith.cmpf olt, %add3A_479, %select_n3A_470 : vector<512x128xf32>
    %select_n3A_481 = arith.select %lt3A_480, %add3A_479, %select_n3A_470 : vector<512x128xi1>, vector<512x128xf32>
    %jit3A_482 = arith.constant 16 : i32
    %broadcast_in_dim3A_483 = vector.broadcast %jit3A_482 : i32 to vector<512x128xi32>
    %select_n3A_484 = arith.select %lt3A_480, %broadcast_in_dim3A_483, %select_n3A_473 : vector<512x128xi1>, vector<512x128xi32>
    %slice3A_485 = vector.extract_strided_slice %dot_general3A_288 {offsets = [0, 2176], sizes = [512, 128], strides = [1, 1]} : vector<512x2816xf32> to vector<512x128xf32>
    %sub3A_486 = vector.broadcast %get3A_6 : vector<512x1xf32> to vector<512x128xf32>
    %sub3A_487 = arith.subf %sub3A_486, %slice3A_485 : vector<512x128xf32>
    %slice3A_488 = vector.extract_strided_slice %get3A_293 {offsets = [0, 2176], sizes = [1, 128], strides = [1, 1]} : vector<1x2816xf32> to vector<1x128xf32>
    %add3A_489 = vector.broadcast %slice3A_488 : vector<1x128xf32> to vector<512x128xf32>
    %add3A_490 = arith.addf %sub3A_487, %add3A_489 : vector<512x128xf32>
    %lt3A_491 = arith.cmpf olt, %add3A_490, %select_n3A_481 : vector<512x128xf32>
    %select_n3A_492 = arith.select %lt3A_491, %add3A_490, %select_n3A_481 : vector<512x128xi1>, vector<512x128xf32>
    %jit3A_493 = arith.constant 17 : i32
    %broadcast_in_dim3A_494 = vector.broadcast %jit3A_493 : i32 to vector<512x128xi32>
    %select_n3A_495 = arith.select %lt3A_491, %broadcast_in_dim3A_494, %select_n3A_484 : vector<512x128xi1>, vector<512x128xi32>
    %slice3A_496 = vector.extract_strided_slice %dot_general3A_288 {offsets = [0, 2304], sizes = [512, 128], strides = [1, 1]} : vector<512x2816xf32> to vector<512x128xf32>
    %sub3A_497 = vector.broadcast %get3A_6 : vector<512x1xf32> to vector<512x128xf32>
    %sub3A_498 = arith.subf %sub3A_497, %slice3A_496 : vector<512x128xf32>
    %slice3A_499 = vector.extract_strided_slice %get3A_293 {offsets = [0, 2304], sizes = [1, 128], strides = [1, 1]} : vector<1x2816xf32> to vector<1x128xf32>
    %add3A_500 = vector.broadcast %slice3A_499 : vector<1x128xf32> to vector<512x128xf32>
    %add3A_501 = arith.addf %sub3A_498, %add3A_500 : vector<512x128xf32>
    %lt3A_502 = arith.cmpf olt, %add3A_501, %select_n3A_492 : vector<512x128xf32>
    %select_n3A_503 = arith.select %lt3A_502, %add3A_501, %select_n3A_492 : vector<512x128xi1>, vector<512x128xf32>
    %jit3A_504 = arith.constant 18 : i32
    %broadcast_in_dim3A_505 = vector.broadcast %jit3A_504 : i32 to vector<512x128xi32>
    %select_n3A_506 = arith.select %lt3A_502, %broadcast_in_dim3A_505, %select_n3A_495 : vector<512x128xi1>, vector<512x128xi32>
    %slice3A_507 = vector.extract_strided_slice %dot_general3A_288 {offsets = [0, 2432], sizes = [512, 128], strides = [1, 1]} : vector<512x2816xf32> to vector<512x128xf32>
    %sub3A_508 = vector.broadcast %get3A_6 : vector<512x1xf32> to vector<512x128xf32>
    %sub3A_509 = arith.subf %sub3A_508, %slice3A_507 : vector<512x128xf32>
    %slice3A_510 = vector.extract_strided_slice %get3A_293 {offsets = [0, 2432], sizes = [1, 128], strides = [1, 1]} : vector<1x2816xf32> to vector<1x128xf32>
    %add3A_511 = vector.broadcast %slice3A_510 : vector<1x128xf32> to vector<512x128xf32>
    %add3A_512 = arith.addf %sub3A_509, %add3A_511 : vector<512x128xf32>
    %lt3A_513 = arith.cmpf olt, %add3A_512, %select_n3A_503 : vector<512x128xf32>
    %select_n3A_514 = arith.select %lt3A_513, %add3A_512, %select_n3A_503 : vector<512x128xi1>, vector<512x128xf32>
    %jit3A_515 = arith.constant 19 : i32
    %broadcast_in_dim3A_516 = vector.broadcast %jit3A_515 : i32 to vector<512x128xi32>
    %select_n3A_517 = arith.select %lt3A_513, %broadcast_in_dim3A_516, %select_n3A_506 : vector<512x128xi1>, vector<512x128xi32>
    %slice3A_518 = vector.extract_strided_slice %dot_general3A_288 {offsets = [0, 2560], sizes = [512, 128], strides = [1, 1]} : vector<512x2816xf32> to vector<512x128xf32>
    %sub3A_519 = vector.broadcast %get3A_6 : vector<512x1xf32> to vector<512x128xf32>
    %sub3A_520 = arith.subf %sub3A_519, %slice3A_518 : vector<512x128xf32>
    %slice3A_521 = vector.extract_strided_slice %get3A_293 {offsets = [0, 2560], sizes = [1, 128], strides = [1, 1]} : vector<1x2816xf32> to vector<1x128xf32>
    %add3A_522 = vector.broadcast %slice3A_521 : vector<1x128xf32> to vector<512x128xf32>
    %add3A_523 = arith.addf %sub3A_520, %add3A_522 : vector<512x128xf32>
    %lt3A_524 = arith.cmpf olt, %add3A_523, %select_n3A_514 : vector<512x128xf32>
    %select_n3A_525 = arith.select %lt3A_524, %add3A_523, %select_n3A_514 : vector<512x128xi1>, vector<512x128xf32>
    %jit3A_526 = arith.constant 20 : i32
    %broadcast_in_dim3A_527 = vector.broadcast %jit3A_526 : i32 to vector<512x128xi32>
    %select_n3A_528 = arith.select %lt3A_524, %broadcast_in_dim3A_527, %select_n3A_517 : vector<512x128xi1>, vector<512x128xi32>
    %slice3A_529 = vector.extract_strided_slice %dot_general3A_288 {offsets = [0, 2688], sizes = [512, 128], strides = [1, 1]} : vector<512x2816xf32> to vector<512x128xf32>
    %sub3A_530 = vector.broadcast %get3A_6 : vector<512x1xf32> to vector<512x128xf32>
    %sub3A_531 = arith.subf %sub3A_530, %slice3A_529 : vector<512x128xf32>
    %slice3A_532 = vector.extract_strided_slice %get3A_293 {offsets = [0, 2688], sizes = [1, 128], strides = [1, 1]} : vector<1x2816xf32> to vector<1x128xf32>
    %add3A_533 = vector.broadcast %slice3A_532 : vector<1x128xf32> to vector<512x128xf32>
    %add3A_534 = arith.addf %sub3A_531, %add3A_533 : vector<512x128xf32>
    %lt3A_535 = arith.cmpf olt, %add3A_534, %select_n3A_525 : vector<512x128xf32>
    %select_n3A_536 = arith.select %lt3A_535, %add3A_534, %select_n3A_525 : vector<512x128xi1>, vector<512x128xf32>
    %jit3A_537 = arith.constant 21 : i32
    %broadcast_in_dim3A_538 = vector.broadcast %jit3A_537 : i32 to vector<512x128xi32>
    %select_n3A_539 = arith.select %lt3A_535, %broadcast_in_dim3A_538, %select_n3A_528 : vector<512x128xi1>, vector<512x128xi32>
    %reduce_min3A_540 = arith.constant dense<0x7F800000> : vector<512xf32>
    %reduce_min3A_541 = vector.multi_reduction <minimumf>, %select_n3A_536, %reduce_min3A_540 [1] : vector<512x128xf32> to vector<512xf32>
    %broadcast_in_dim3A_542 = vector.shape_cast %reduce_min3A_541 : vector<512xf32> to vector<512x1xf32>
    %eq3A_543 = vector.broadcast %broadcast_in_dim3A_542 : vector<512x1xf32> to vector<512x128xf32>
    %eq3A_544 = arith.cmpf oeq, %select_n3A_536, %eq3A_543 : vector<512x128xf32>
    %mul3A_545 = arith.constant 128 : i32
    %mul3A_546 = vector.broadcast %mul3A_545 : i32 to vector<512x128xi32>
    %mul3A_547 = arith.muli %select_n3A_539, %mul3A_546 : vector<512x128xi32>
    %add3A_548 = arith.addi %mul3A_547, %iota3A : vector<512x128xi32>
    %add3A_549 = arith.constant 2736 : i32
    %add3A_550 = vector.broadcast %add3A_549 : i32 to vector<512x128xi32>
    %add3A_551 = arith.addi %add3A_548, %add3A_550 : vector<512x128xi32>
    %jit3A_552 = arith.constant 8192 : i32
    %broadcast_in_dim3A_553 = vector.broadcast %jit3A_552 : i32 to vector<512x128xi32>
    %select_n3A_554 = arith.select %eq3A_544, %add3A_551, %broadcast_in_dim3A_553 : vector<512x128xi1>, vector<512x128xi32>
    %reduce_min3A_555 = arith.constant dense<2147483647> : vector<512xi32>
    %reduce_min3A_556 = vector.multi_reduction <minsi>, %select_n3A_554, %reduce_min3A_555 [1] : vector<512x128xi32> to vector<512xi32>
    %broadcast_in_dim3A_557 = vector.shape_cast %reduce_min3A_556 : vector<512xi32> to vector<512x1xi32>
    %lt3A_558 = arith.cmpf olt, %broadcast_in_dim3A_542, %select_n3A_280 : vector<512x1xf32>
    %convert_element_type3A_559 = arith.truncf %broadcast_in_dim3A_542 : vector<512x1xf32> to vector<512x1xbf16>
    %convert_element_type3A_560 = arith.extf %convert_element_type3A_559 : vector<512x1xbf16> to vector<512x1xf32>
    %select_n3A_561 = arith.select %lt3A_558, %convert_element_type3A_560, %select_n3A_280 : vector<512x1xi1>, vector<512x1xf32>
    %select_n3A_562 = arith.select %lt3A_558, %broadcast_in_dim3A_557, %select_n3A_281 : vector<512x1xi1>, vector<512x1xi32>
    %get3A_563 = arith.constant 2 : index
    %get3A_564 = arith.constant 0 : index
    %get3A_565 = arith.constant 0 : index
    %get3A_566 = vector.load %arg3[%get3A_563, %get3A_564, %get3A_565] : memref<3x2816x256xbf16, #tpu.memory_space<vmem>>, vector<1x2816x256xbf16>
    %get3A_567 = vector.shape_cast %get3A_566 : vector<1x2816x256xbf16> to vector<2816x256xbf16>
    %dot_general3A_568 = arith.constant dense<0.000000e+00> : vector<512x2816xf32>
    %dot_general3A_569 = tpu.matmul %convert_element_type3A, %get3A_567, %dot_general3A_568 {dimension_numbers = #tpu.dot_dimension_numbers<[1], [1], [0], [0], [0, 0, 1, 0], [], []>, transpose_lhs_hint = false} : vector<512x256xbf16>, vector<2816x256xbf16>, vector<512x2816xf32> -> vector<512x2816xf32>
    %get3A_570 = arith.constant 2 : index
    %get3A_571 = arith.constant 0 : index
    %get3A_572 = arith.constant 0 : index
    %get3A_573 = vector.load %arg4[%get3A_570, %get3A_571, %get3A_572] : memref<3x1x2816xf32, #tpu.memory_space<vmem>>, vector<1x1x2816xf32>
    %get3A_574 = vector.shape_cast %get3A_573 : vector<1x1x2816xf32> to vector<1x2816xf32>
    %broadcast_in_dim3A_575 = arith.constant 0x7F800000 : f32
    %broadcast_in_dim3A_576 = vector.broadcast %broadcast_in_dim3A_575 : f32 to vector<512x128xf32>
    %broadcast_in_dim3A_577 = arith.constant 0 : i32
    %broadcast_in_dim3A_578 = vector.broadcast %broadcast_in_dim3A_577 : i32 to vector<512x128xi32>
    %slice3A_579 = vector.extract_strided_slice %dot_general3A_569 {offsets = [0, 0], sizes = [512, 128], strides = [1, 1]} : vector<512x2816xf32> to vector<512x128xf32>
    %sub3A_580 = vector.broadcast %get3A_6 : vector<512x1xf32> to vector<512x128xf32>
    %sub3A_581 = arith.subf %sub3A_580, %slice3A_579 : vector<512x128xf32>
    %slice3A_582 = vector.extract_strided_slice %get3A_574 {offsets = [0, 0], sizes = [1, 128], strides = [1, 1]} : vector<1x2816xf32> to vector<1x128xf32>
    %add3A_583 = vector.broadcast %slice3A_582 : vector<1x128xf32> to vector<512x128xf32>
    %add3A_584 = arith.addf %sub3A_581, %add3A_583 : vector<512x128xf32>
    %lt3A_585 = arith.cmpf olt, %add3A_584, %broadcast_in_dim3A_576 : vector<512x128xf32>
    %select_n3A_586 = arith.select %lt3A_585, %add3A_584, %broadcast_in_dim3A_576 : vector<512x128xi1>, vector<512x128xf32>
    %jit3A_587 = arith.constant 0 : i32
    %broadcast_in_dim3A_588 = vector.broadcast %jit3A_587 : i32 to vector<512x128xi32>
    %select_n3A_589 = arith.select %lt3A_585, %broadcast_in_dim3A_588, %broadcast_in_dim3A_578 : vector<512x128xi1>, vector<512x128xi32>
    %slice3A_590 = vector.extract_strided_slice %dot_general3A_569 {offsets = [0, 128], sizes = [512, 128], strides = [1, 1]} : vector<512x2816xf32> to vector<512x128xf32>
    %sub3A_591 = vector.broadcast %get3A_6 : vector<512x1xf32> to vector<512x128xf32>
    %sub3A_592 = arith.subf %sub3A_591, %slice3A_590 : vector<512x128xf32>
    %slice3A_593 = vector.extract_strided_slice %get3A_574 {offsets = [0, 128], sizes = [1, 128], strides = [1, 1]} : vector<1x2816xf32> to vector<1x128xf32>
    %add3A_594 = vector.broadcast %slice3A_593 : vector<1x128xf32> to vector<512x128xf32>
    %add3A_595 = arith.addf %sub3A_592, %add3A_594 : vector<512x128xf32>
    %lt3A_596 = arith.cmpf olt, %add3A_595, %select_n3A_586 : vector<512x128xf32>
    %select_n3A_597 = arith.select %lt3A_596, %add3A_595, %select_n3A_586 : vector<512x128xi1>, vector<512x128xf32>
    %jit3A_598 = arith.constant 1 : i32
    %broadcast_in_dim3A_599 = vector.broadcast %jit3A_598 : i32 to vector<512x128xi32>
    %select_n3A_600 = arith.select %lt3A_596, %broadcast_in_dim3A_599, %select_n3A_589 : vector<512x128xi1>, vector<512x128xi32>
    %slice3A_601 = vector.extract_strided_slice %dot_general3A_569 {offsets = [0, 256], sizes = [512, 128], strides = [1, 1]} : vector<512x2816xf32> to vector<512x128xf32>
    %sub3A_602 = vector.broadcast %get3A_6 : vector<512x1xf32> to vector<512x128xf32>
    %sub3A_603 = arith.subf %sub3A_602, %slice3A_601 : vector<512x128xf32>
    %slice3A_604 = vector.extract_strided_slice %get3A_574 {offsets = [0, 256], sizes = [1, 128], strides = [1, 1]} : vector<1x2816xf32> to vector<1x128xf32>
    %add3A_605 = vector.broadcast %slice3A_604 : vector<1x128xf32> to vector<512x128xf32>
    %add3A_606 = arith.addf %sub3A_603, %add3A_605 : vector<512x128xf32>
    %lt3A_607 = arith.cmpf olt, %add3A_606, %select_n3A_597 : vector<512x128xf32>
    %select_n3A_608 = arith.select %lt3A_607, %add3A_606, %select_n3A_597 : vector<512x128xi1>, vector<512x128xf32>
    %jit3A_609 = arith.constant 2 : i32
    %broadcast_in_dim3A_610 = vector.broadcast %jit3A_609 : i32 to vector<512x128xi32>
    %select_n3A_611 = arith.select %lt3A_607, %broadcast_in_dim3A_610, %select_n3A_600 : vector<512x128xi1>, vector<512x128xi32>
    %slice3A_612 = vector.extract_strided_slice %dot_general3A_569 {offsets = [0, 384], sizes = [512, 128], strides = [1, 1]} : vector<512x2816xf32> to vector<512x128xf32>
    %sub3A_613 = vector.broadcast %get3A_6 : vector<512x1xf32> to vector<512x128xf32>
    %sub3A_614 = arith.subf %sub3A_613, %slice3A_612 : vector<512x128xf32>
    %slice3A_615 = vector.extract_strided_slice %get3A_574 {offsets = [0, 384], sizes = [1, 128], strides = [1, 1]} : vector<1x2816xf32> to vector<1x128xf32>
    %add3A_616 = vector.broadcast %slice3A_615 : vector<1x128xf32> to vector<512x128xf32>
    %add3A_617 = arith.addf %sub3A_614, %add3A_616 : vector<512x128xf32>
    %lt3A_618 = arith.cmpf olt, %add3A_617, %select_n3A_608 : vector<512x128xf32>
    %select_n3A_619 = arith.select %lt3A_618, %add3A_617, %select_n3A_608 : vector<512x128xi1>, vector<512x128xf32>
    %jit3A_620 = arith.constant 3 : i32
    %broadcast_in_dim3A_621 = vector.broadcast %jit3A_620 : i32 to vector<512x128xi32>
    %select_n3A_622 = arith.select %lt3A_618, %broadcast_in_dim3A_621, %select_n3A_611 : vector<512x128xi1>, vector<512x128xi32>
    %slice3A_623 = vector.extract_strided_slice %dot_general3A_569 {offsets = [0, 512], sizes = [512, 128], strides = [1, 1]} : vector<512x2816xf32> to vector<512x128xf32>
    %sub3A_624 = vector.broadcast %get3A_6 : vector<512x1xf32> to vector<512x128xf32>
    %sub3A_625 = arith.subf %sub3A_624, %slice3A_623 : vector<512x128xf32>
    %slice3A_626 = vector.extract_strided_slice %get3A_574 {offsets = [0, 512], sizes = [1, 128], strides = [1, 1]} : vector<1x2816xf32> to vector<1x128xf32>
    %add3A_627 = vector.broadcast %slice3A_626 : vector<1x128xf32> to vector<512x128xf32>
    %add3A_628 = arith.addf %sub3A_625, %add3A_627 : vector<512x128xf32>
    %lt3A_629 = arith.cmpf olt, %add3A_628, %select_n3A_619 : vector<512x128xf32>
    %select_n3A_630 = arith.select %lt3A_629, %add3A_628, %select_n3A_619 : vector<512x128xi1>, vector<512x128xf32>
    %jit3A_631 = arith.constant 4 : i32
    %broadcast_in_dim3A_632 = vector.broadcast %jit3A_631 : i32 to vector<512x128xi32>
    %select_n3A_633 = arith.select %lt3A_629, %broadcast_in_dim3A_632, %select_n3A_622 : vector<512x128xi1>, vector<512x128xi32>
    %slice3A_634 = vector.extract_strided_slice %dot_general3A_569 {offsets = [0, 640], sizes = [512, 128], strides = [1, 1]} : vector<512x2816xf32> to vector<512x128xf32>
    %sub3A_635 = vector.broadcast %get3A_6 : vector<512x1xf32> to vector<512x128xf32>
    %sub3A_636 = arith.subf %sub3A_635, %slice3A_634 : vector<512x128xf32>
    %slice3A_637 = vector.extract_strided_slice %get3A_574 {offsets = [0, 640], sizes = [1, 128], strides = [1, 1]} : vector<1x2816xf32> to vector<1x128xf32>
    %add3A_638 = vector.broadcast %slice3A_637 : vector<1x128xf32> to vector<512x128xf32>
    %add3A_639 = arith.addf %sub3A_636, %add3A_638 : vector<512x128xf32>
    %lt3A_640 = arith.cmpf olt, %add3A_639, %select_n3A_630 : vector<512x128xf32>
    %select_n3A_641 = arith.select %lt3A_640, %add3A_639, %select_n3A_630 : vector<512x128xi1>, vector<512x128xf32>
    %jit3A_642 = arith.constant 5 : i32
    %broadcast_in_dim3A_643 = vector.broadcast %jit3A_642 : i32 to vector<512x128xi32>
    %select_n3A_644 = arith.select %lt3A_640, %broadcast_in_dim3A_643, %select_n3A_633 : vector<512x128xi1>, vector<512x128xi32>
    %slice3A_645 = vector.extract_strided_slice %dot_general3A_569 {offsets = [0, 768], sizes = [512, 128], strides = [1, 1]} : vector<512x2816xf32> to vector<512x128xf32>
    %sub3A_646 = vector.broadcast %get3A_6 : vector<512x1xf32> to vector<512x128xf32>
    %sub3A_647 = arith.subf %sub3A_646, %slice3A_645 : vector<512x128xf32>
    %slice3A_648 = vector.extract_strided_slice %get3A_574 {offsets = [0, 768], sizes = [1, 128], strides = [1, 1]} : vector<1x2816xf32> to vector<1x128xf32>
    %add3A_649 = vector.broadcast %slice3A_648 : vector<1x128xf32> to vector<512x128xf32>
    %add3A_650 = arith.addf %sub3A_647, %add3A_649 : vector<512x128xf32>
    %lt3A_651 = arith.cmpf olt, %add3A_650, %select_n3A_641 : vector<512x128xf32>
    %select_n3A_652 = arith.select %lt3A_651, %add3A_650, %select_n3A_641 : vector<512x128xi1>, vector<512x128xf32>
    %jit3A_653 = arith.constant 6 : i32
    %broadcast_in_dim3A_654 = vector.broadcast %jit3A_653 : i32 to vector<512x128xi32>
    %select_n3A_655 = arith.select %lt3A_651, %broadcast_in_dim3A_654, %select_n3A_644 : vector<512x128xi1>, vector<512x128xi32>
    %slice3A_656 = vector.extract_strided_slice %dot_general3A_569 {offsets = [0, 896], sizes = [512, 128], strides = [1, 1]} : vector<512x2816xf32> to vector<512x128xf32>
    %sub3A_657 = vector.broadcast %get3A_6 : vector<512x1xf32> to vector<512x128xf32>
    %sub3A_658 = arith.subf %sub3A_657, %slice3A_656 : vector<512x128xf32>
    %slice3A_659 = vector.extract_strided_slice %get3A_574 {offsets = [0, 896], sizes = [1, 128], strides = [1, 1]} : vector<1x2816xf32> to vector<1x128xf32>
    %add3A_660 = vector.broadcast %slice3A_659 : vector<1x128xf32> to vector<512x128xf32>
    %add3A_661 = arith.addf %sub3A_658, %add3A_660 : vector<512x128xf32>
    %lt3A_662 = arith.cmpf olt, %add3A_661, %select_n3A_652 : vector<512x128xf32>
    %select_n3A_663 = arith.select %lt3A_662, %add3A_661, %select_n3A_652 : vector<512x128xi1>, vector<512x128xf32>
    %jit3A_664 = arith.constant 7 : i32
    %broadcast_in_dim3A_665 = vector.broadcast %jit3A_664 : i32 to vector<512x128xi32>
    %select_n3A_666 = arith.select %lt3A_662, %broadcast_in_dim3A_665, %select_n3A_655 : vector<512x128xi1>, vector<512x128xi32>
    %slice3A_667 = vector.extract_strided_slice %dot_general3A_569 {offsets = [0, 1024], sizes = [512, 128], strides = [1, 1]} : vector<512x2816xf32> to vector<512x128xf32>
    %sub3A_668 = vector.broadcast %get3A_6 : vector<512x1xf32> to vector<512x128xf32>
    %sub3A_669 = arith.subf %sub3A_668, %slice3A_667 : vector<512x128xf32>
    %slice3A_670 = vector.extract_strided_slice %get3A_574 {offsets = [0, 1024], sizes = [1, 128], strides = [1, 1]} : vector<1x2816xf32> to vector<1x128xf32>
    %add3A_671 = vector.broadcast %slice3A_670 : vector<1x128xf32> to vector<512x128xf32>
    %add3A_672 = arith.addf %sub3A_669, %add3A_671 : vector<512x128xf32>
    %lt3A_673 = arith.cmpf olt, %add3A_672, %select_n3A_663 : vector<512x128xf32>
    %select_n3A_674 = arith.select %lt3A_673, %add3A_672, %select_n3A_663 : vector<512x128xi1>, vector<512x128xf32>
    %jit3A_675 = arith.constant 8 : i32
    %broadcast_in_dim3A_676 = vector.broadcast %jit3A_675 : i32 to vector<512x128xi32>
    %select_n3A_677 = arith.select %lt3A_673, %broadcast_in_dim3A_676, %select_n3A_666 : vector<512x128xi1>, vector<512x128xi32>
    %slice3A_678 = vector.extract_strided_slice %dot_general3A_569 {offsets = [0, 1152], sizes = [512, 128], strides = [1, 1]} : vector<512x2816xf32> to vector<512x128xf32>
    %sub3A_679 = vector.broadcast %get3A_6 : vector<512x1xf32> to vector<512x128xf32>
    %sub3A_680 = arith.subf %sub3A_679, %slice3A_678 : vector<512x128xf32>
    %slice3A_681 = vector.extract_strided_slice %get3A_574 {offsets = [0, 1152], sizes = [1, 128], strides = [1, 1]} : vector<1x2816xf32> to vector<1x128xf32>
    %add3A_682 = vector.broadcast %slice3A_681 : vector<1x128xf32> to vector<512x128xf32>
    %add3A_683 = arith.addf %sub3A_680, %add3A_682 : vector<512x128xf32>
    %lt3A_684 = arith.cmpf olt, %add3A_683, %select_n3A_674 : vector<512x128xf32>
    %select_n3A_685 = arith.select %lt3A_684, %add3A_683, %select_n3A_674 : vector<512x128xi1>, vector<512x128xf32>
    %jit3A_686 = arith.constant 9 : i32
    %broadcast_in_dim3A_687 = vector.broadcast %jit3A_686 : i32 to vector<512x128xi32>
    %select_n3A_688 = arith.select %lt3A_684, %broadcast_in_dim3A_687, %select_n3A_677 : vector<512x128xi1>, vector<512x128xi32>
    %slice3A_689 = vector.extract_strided_slice %dot_general3A_569 {offsets = [0, 1280], sizes = [512, 128], strides = [1, 1]} : vector<512x2816xf32> to vector<512x128xf32>
    %sub3A_690 = vector.broadcast %get3A_6 : vector<512x1xf32> to vector<512x128xf32>
    %sub3A_691 = arith.subf %sub3A_690, %slice3A_689 : vector<512x128xf32>
    %slice3A_692 = vector.extract_strided_slice %get3A_574 {offsets = [0, 1280], sizes = [1, 128], strides = [1, 1]} : vector<1x2816xf32> to vector<1x128xf32>
    %add3A_693 = vector.broadcast %slice3A_692 : vector<1x128xf32> to vector<512x128xf32>
    %add3A_694 = arith.addf %sub3A_691, %add3A_693 : vector<512x128xf32>
    %lt3A_695 = arith.cmpf olt, %add3A_694, %select_n3A_685 : vector<512x128xf32>
    %select_n3A_696 = arith.select %lt3A_695, %add3A_694, %select_n3A_685 : vector<512x128xi1>, vector<512x128xf32>
    %jit3A_697 = arith.constant 10 : i32
    %broadcast_in_dim3A_698 = vector.broadcast %jit3A_697 : i32 to vector<512x128xi32>
    %select_n3A_699 = arith.select %lt3A_695, %broadcast_in_dim3A_698, %select_n3A_688 : vector<512x128xi1>, vector<512x128xi32>
    %slice3A_700 = vector.extract_strided_slice %dot_general3A_569 {offsets = [0, 1408], sizes = [512, 128], strides = [1, 1]} : vector<512x2816xf32> to vector<512x128xf32>
    %sub3A_701 = vector.broadcast %get3A_6 : vector<512x1xf32> to vector<512x128xf32>
    %sub3A_702 = arith.subf %sub3A_701, %slice3A_700 : vector<512x128xf32>
    %slice3A_703 = vector.extract_strided_slice %get3A_574 {offsets = [0, 1408], sizes = [1, 128], strides = [1, 1]} : vector<1x2816xf32> to vector<1x128xf32>
    %add3A_704 = vector.broadcast %slice3A_703 : vector<1x128xf32> to vector<512x128xf32>
    %add3A_705 = arith.addf %sub3A_702, %add3A_704 : vector<512x128xf32>
    %lt3A_706 = arith.cmpf olt, %add3A_705, %select_n3A_696 : vector<512x128xf32>
    %select_n3A_707 = arith.select %lt3A_706, %add3A_705, %select_n3A_696 : vector<512x128xi1>, vector<512x128xf32>
    %jit3A_708 = arith.constant 11 : i32
    %broadcast_in_dim3A_709 = vector.broadcast %jit3A_708 : i32 to vector<512x128xi32>
    %select_n3A_710 = arith.select %lt3A_706, %broadcast_in_dim3A_709, %select_n3A_699 : vector<512x128xi1>, vector<512x128xi32>
    %slice3A_711 = vector.extract_strided_slice %dot_general3A_569 {offsets = [0, 1536], sizes = [512, 128], strides = [1, 1]} : vector<512x2816xf32> to vector<512x128xf32>
    %sub3A_712 = vector.broadcast %get3A_6 : vector<512x1xf32> to vector<512x128xf32>
    %sub3A_713 = arith.subf %sub3A_712, %slice3A_711 : vector<512x128xf32>
    %slice3A_714 = vector.extract_strided_slice %get3A_574 {offsets = [0, 1536], sizes = [1, 128], strides = [1, 1]} : vector<1x2816xf32> to vector<1x128xf32>
    %add3A_715 = vector.broadcast %slice3A_714 : vector<1x128xf32> to vector<512x128xf32>
    %add3A_716 = arith.addf %sub3A_713, %add3A_715 : vector<512x128xf32>
    %lt3A_717 = arith.cmpf olt, %add3A_716, %select_n3A_707 : vector<512x128xf32>
    %select_n3A_718 = arith.select %lt3A_717, %add3A_716, %select_n3A_707 : vector<512x128xi1>, vector<512x128xf32>
    %jit3A_719 = arith.constant 12 : i32
    %broadcast_in_dim3A_720 = vector.broadcast %jit3A_719 : i32 to vector<512x128xi32>
    %select_n3A_721 = arith.select %lt3A_717, %broadcast_in_dim3A_720, %select_n3A_710 : vector<512x128xi1>, vector<512x128xi32>
    %slice3A_722 = vector.extract_strided_slice %dot_general3A_569 {offsets = [0, 1664], sizes = [512, 128], strides = [1, 1]} : vector<512x2816xf32> to vector<512x128xf32>
    %sub3A_723 = vector.broadcast %get3A_6 : vector<512x1xf32> to vector<512x128xf32>
    %sub3A_724 = arith.subf %sub3A_723, %slice3A_722 : vector<512x128xf32>
    %slice3A_725 = vector.extract_strided_slice %get3A_574 {offsets = [0, 1664], sizes = [1, 128], strides = [1, 1]} : vector<1x2816xf32> to vector<1x128xf32>
    %add3A_726 = vector.broadcast %slice3A_725 : vector<1x128xf32> to vector<512x128xf32>
    %add3A_727 = arith.addf %sub3A_724, %add3A_726 : vector<512x128xf32>
    %lt3A_728 = arith.cmpf olt, %add3A_727, %select_n3A_718 : vector<512x128xf32>
    %select_n3A_729 = arith.select %lt3A_728, %add3A_727, %select_n3A_718 : vector<512x128xi1>, vector<512x128xf32>
    %jit3A_730 = arith.constant 13 : i32
    %broadcast_in_dim3A_731 = vector.broadcast %jit3A_730 : i32 to vector<512x128xi32>
    %select_n3A_732 = arith.select %lt3A_728, %broadcast_in_dim3A_731, %select_n3A_721 : vector<512x128xi1>, vector<512x128xi32>
    %slice3A_733 = vector.extract_strided_slice %dot_general3A_569 {offsets = [0, 1792], sizes = [512, 128], strides = [1, 1]} : vector<512x2816xf32> to vector<512x128xf32>
    %sub3A_734 = vector.broadcast %get3A_6 : vector<512x1xf32> to vector<512x128xf32>
    %sub3A_735 = arith.subf %sub3A_734, %slice3A_733 : vector<512x128xf32>
    %slice3A_736 = vector.extract_strided_slice %get3A_574 {offsets = [0, 1792], sizes = [1, 128], strides = [1, 1]} : vector<1x2816xf32> to vector<1x128xf32>
    %add3A_737 = vector.broadcast %slice3A_736 : vector<1x128xf32> to vector<512x128xf32>
    %add3A_738 = arith.addf %sub3A_735, %add3A_737 : vector<512x128xf32>
    %lt3A_739 = arith.cmpf olt, %add3A_738, %select_n3A_729 : vector<512x128xf32>
    %select_n3A_740 = arith.select %lt3A_739, %add3A_738, %select_n3A_729 : vector<512x128xi1>, vector<512x128xf32>
    %jit3A_741 = arith.constant 14 : i32
    %broadcast_in_dim3A_742 = vector.broadcast %jit3A_741 : i32 to vector<512x128xi32>
    %select_n3A_743 = arith.select %lt3A_739, %broadcast_in_dim3A_742, %select_n3A_732 : vector<512x128xi1>, vector<512x128xi32>
    %slice3A_744 = vector.extract_strided_slice %dot_general3A_569 {offsets = [0, 1920], sizes = [512, 128], strides = [1, 1]} : vector<512x2816xf32> to vector<512x128xf32>
    %sub3A_745 = vector.broadcast %get3A_6 : vector<512x1xf32> to vector<512x128xf32>
    %sub3A_746 = arith.subf %sub3A_745, %slice3A_744 : vector<512x128xf32>
    %slice3A_747 = vector.extract_strided_slice %get3A_574 {offsets = [0, 1920], sizes = [1, 128], strides = [1, 1]} : vector<1x2816xf32> to vector<1x128xf32>
    %add3A_748 = vector.broadcast %slice3A_747 : vector<1x128xf32> to vector<512x128xf32>
    %add3A_749 = arith.addf %sub3A_746, %add3A_748 : vector<512x128xf32>
    %lt3A_750 = arith.cmpf olt, %add3A_749, %select_n3A_740 : vector<512x128xf32>
    %select_n3A_751 = arith.select %lt3A_750, %add3A_749, %select_n3A_740 : vector<512x128xi1>, vector<512x128xf32>
    %jit3A_752 = arith.constant 15 : i32
    %broadcast_in_dim3A_753 = vector.broadcast %jit3A_752 : i32 to vector<512x128xi32>
    %select_n3A_754 = arith.select %lt3A_750, %broadcast_in_dim3A_753, %select_n3A_743 : vector<512x128xi1>, vector<512x128xi32>
    %slice3A_755 = vector.extract_strided_slice %dot_general3A_569 {offsets = [0, 2048], sizes = [512, 128], strides = [1, 1]} : vector<512x2816xf32> to vector<512x128xf32>
    %sub3A_756 = vector.broadcast %get3A_6 : vector<512x1xf32> to vector<512x128xf32>
    %sub3A_757 = arith.subf %sub3A_756, %slice3A_755 : vector<512x128xf32>
    %slice3A_758 = vector.extract_strided_slice %get3A_574 {offsets = [0, 2048], sizes = [1, 128], strides = [1, 1]} : vector<1x2816xf32> to vector<1x128xf32>
    %add3A_759 = vector.broadcast %slice3A_758 : vector<1x128xf32> to vector<512x128xf32>
    %add3A_760 = arith.addf %sub3A_757, %add3A_759 : vector<512x128xf32>
    %lt3A_761 = arith.cmpf olt, %add3A_760, %select_n3A_751 : vector<512x128xf32>
    %select_n3A_762 = arith.select %lt3A_761, %add3A_760, %select_n3A_751 : vector<512x128xi1>, vector<512x128xf32>
    %jit3A_763 = arith.constant 16 : i32
    %broadcast_in_dim3A_764 = vector.broadcast %jit3A_763 : i32 to vector<512x128xi32>
    %select_n3A_765 = arith.select %lt3A_761, %broadcast_in_dim3A_764, %select_n3A_754 : vector<512x128xi1>, vector<512x128xi32>
    %slice3A_766 = vector.extract_strided_slice %dot_general3A_569 {offsets = [0, 2176], sizes = [512, 128], strides = [1, 1]} : vector<512x2816xf32> to vector<512x128xf32>
    %sub3A_767 = vector.broadcast %get3A_6 : vector<512x1xf32> to vector<512x128xf32>
    %sub3A_768 = arith.subf %sub3A_767, %slice3A_766 : vector<512x128xf32>
    %slice3A_769 = vector.extract_strided_slice %get3A_574 {offsets = [0, 2176], sizes = [1, 128], strides = [1, 1]} : vector<1x2816xf32> to vector<1x128xf32>
    %add3A_770 = vector.broadcast %slice3A_769 : vector<1x128xf32> to vector<512x128xf32>
    %add3A_771 = arith.addf %sub3A_768, %add3A_770 : vector<512x128xf32>
    %lt3A_772 = arith.cmpf olt, %add3A_771, %select_n3A_762 : vector<512x128xf32>
    %select_n3A_773 = arith.select %lt3A_772, %add3A_771, %select_n3A_762 : vector<512x128xi1>, vector<512x128xf32>
    %jit3A_774 = arith.constant 17 : i32
    %broadcast_in_dim3A_775 = vector.broadcast %jit3A_774 : i32 to vector<512x128xi32>
    %select_n3A_776 = arith.select %lt3A_772, %broadcast_in_dim3A_775, %select_n3A_765 : vector<512x128xi1>, vector<512x128xi32>
    %slice3A_777 = vector.extract_strided_slice %dot_general3A_569 {offsets = [0, 2304], sizes = [512, 128], strides = [1, 1]} : vector<512x2816xf32> to vector<512x128xf32>
    %sub3A_778 = vector.broadcast %get3A_6 : vector<512x1xf32> to vector<512x128xf32>
    %sub3A_779 = arith.subf %sub3A_778, %slice3A_777 : vector<512x128xf32>
    %slice3A_780 = vector.extract_strided_slice %get3A_574 {offsets = [0, 2304], sizes = [1, 128], strides = [1, 1]} : vector<1x2816xf32> to vector<1x128xf32>
    %add3A_781 = vector.broadcast %slice3A_780 : vector<1x128xf32> to vector<512x128xf32>
    %add3A_782 = arith.addf %sub3A_779, %add3A_781 : vector<512x128xf32>
    %lt3A_783 = arith.cmpf olt, %add3A_782, %select_n3A_773 : vector<512x128xf32>
    %select_n3A_784 = arith.select %lt3A_783, %add3A_782, %select_n3A_773 : vector<512x128xi1>, vector<512x128xf32>
    %jit3A_785 = arith.constant 18 : i32
    %broadcast_in_dim3A_786 = vector.broadcast %jit3A_785 : i32 to vector<512x128xi32>
    %select_n3A_787 = arith.select %lt3A_783, %broadcast_in_dim3A_786, %select_n3A_776 : vector<512x128xi1>, vector<512x128xi32>
    %slice3A_788 = vector.extract_strided_slice %dot_general3A_569 {offsets = [0, 2432], sizes = [512, 128], strides = [1, 1]} : vector<512x2816xf32> to vector<512x128xf32>
    %sub3A_789 = vector.broadcast %get3A_6 : vector<512x1xf32> to vector<512x128xf32>
    %sub3A_790 = arith.subf %sub3A_789, %slice3A_788 : vector<512x128xf32>
    %slice3A_791 = vector.extract_strided_slice %get3A_574 {offsets = [0, 2432], sizes = [1, 128], strides = [1, 1]} : vector<1x2816xf32> to vector<1x128xf32>
    %add3A_792 = vector.broadcast %slice3A_791 : vector<1x128xf32> to vector<512x128xf32>
    %add3A_793 = arith.addf %sub3A_790, %add3A_792 : vector<512x128xf32>
    %lt3A_794 = arith.cmpf olt, %add3A_793, %select_n3A_784 : vector<512x128xf32>
    %select_n3A_795 = arith.select %lt3A_794, %add3A_793, %select_n3A_784 : vector<512x128xi1>, vector<512x128xf32>
    %jit3A_796 = arith.constant 19 : i32
    %broadcast_in_dim3A_797 = vector.broadcast %jit3A_796 : i32 to vector<512x128xi32>
    %select_n3A_798 = arith.select %lt3A_794, %broadcast_in_dim3A_797, %select_n3A_787 : vector<512x128xi1>, vector<512x128xi32>
    %slice3A_799 = vector.extract_strided_slice %dot_general3A_569 {offsets = [0, 2560], sizes = [512, 128], strides = [1, 1]} : vector<512x2816xf32> to vector<512x128xf32>
    %sub3A_800 = vector.broadcast %get3A_6 : vector<512x1xf32> to vector<512x128xf32>
    %sub3A_801 = arith.subf %sub3A_800, %slice3A_799 : vector<512x128xf32>
    %slice3A_802 = vector.extract_strided_slice %get3A_574 {offsets = [0, 2560], sizes = [1, 128], strides = [1, 1]} : vector<1x2816xf32> to vector<1x128xf32>
    %add3A_803 = vector.broadcast %slice3A_802 : vector<1x128xf32> to vector<512x128xf32>
    %add3A_804 = arith.addf %sub3A_801, %add3A_803 : vector<512x128xf32>
    %lt3A_805 = arith.cmpf olt, %add3A_804, %select_n3A_795 : vector<512x128xf32>
    %select_n3A_806 = arith.select %lt3A_805, %add3A_804, %select_n3A_795 : vector<512x128xi1>, vector<512x128xf32>
    %jit3A_807 = arith.constant 20 : i32
    %broadcast_in_dim3A_808 = vector.broadcast %jit3A_807 : i32 to vector<512x128xi32>
    %select_n3A_809 = arith.select %lt3A_805, %broadcast_in_dim3A_808, %select_n3A_798 : vector<512x128xi1>, vector<512x128xi32>
    %slice3A_810 = vector.extract_strided_slice %dot_general3A_569 {offsets = [0, 2688], sizes = [512, 128], strides = [1, 1]} : vector<512x2816xf32> to vector<512x128xf32>
    %sub3A_811 = vector.broadcast %get3A_6 : vector<512x1xf32> to vector<512x128xf32>
    %sub3A_812 = arith.subf %sub3A_811, %slice3A_810 : vector<512x128xf32>
    %slice3A_813 = vector.extract_strided_slice %get3A_574 {offsets = [0, 2688], sizes = [1, 128], strides = [1, 1]} : vector<1x2816xf32> to vector<1x128xf32>
    %add3A_814 = vector.broadcast %slice3A_813 : vector<1x128xf32> to vector<512x128xf32>
    %add3A_815 = arith.addf %sub3A_812, %add3A_814 : vector<512x128xf32>
    %lt3A_816 = arith.cmpf olt, %add3A_815, %select_n3A_806 : vector<512x128xf32>
    %select_n3A_817 = arith.select %lt3A_816, %add3A_815, %select_n3A_806 : vector<512x128xi1>, vector<512x128xf32>
    %jit3A_818 = arith.constant 21 : i32
    %broadcast_in_dim3A_819 = vector.broadcast %jit3A_818 : i32 to vector<512x128xi32>
    %select_n3A_820 = arith.select %lt3A_816, %broadcast_in_dim3A_819, %select_n3A_809 : vector<512x128xi1>, vector<512x128xi32>
    %reduce_min3A_821 = arith.constant dense<0x7F800000> : vector<512xf32>
    %reduce_min3A_822 = vector.multi_reduction <minimumf>, %select_n3A_817, %reduce_min3A_821 [1] : vector<512x128xf32> to vector<512xf32>
    %broadcast_in_dim3A_823 = vector.shape_cast %reduce_min3A_822 : vector<512xf32> to vector<512x1xf32>
    %eq3A_824 = vector.broadcast %broadcast_in_dim3A_823 : vector<512x1xf32> to vector<512x128xf32>
    %eq3A_825 = arith.cmpf oeq, %select_n3A_817, %eq3A_824 : vector<512x128xf32>
    %mul3A_826 = arith.constant 128 : i32
    %mul3A_827 = vector.broadcast %mul3A_826 : i32 to vector<512x128xi32>
    %mul3A_828 = arith.muli %select_n3A_820, %mul3A_827 : vector<512x128xi32>
    %add3A_829 = arith.addi %mul3A_828, %iota3A : vector<512x128xi32>
    %add3A_830 = arith.constant 5472 : i32
    %add3A_831 = vector.broadcast %add3A_830 : i32 to vector<512x128xi32>
    %add3A_832 = arith.addi %add3A_829, %add3A_831 : vector<512x128xi32>
    %jit3A_833 = arith.constant 8192 : i32
    %broadcast_in_dim3A_834 = vector.broadcast %jit3A_833 : i32 to vector<512x128xi32>
    %select_n3A_835 = arith.select %eq3A_825, %add3A_832, %broadcast_in_dim3A_834 : vector<512x128xi1>, vector<512x128xi32>
    %reduce_min3A_836 = arith.constant dense<2147483647> : vector<512xi32>
    %reduce_min3A_837 = vector.multi_reduction <minsi>, %select_n3A_835, %reduce_min3A_836 [1] : vector<512x128xi32> to vector<512xi32>
    %broadcast_in_dim3A_838 = vector.shape_cast %reduce_min3A_837 : vector<512xi32> to vector<512x1xi32>
    %lt3A_839 = arith.cmpf olt, %broadcast_in_dim3A_823, %select_n3A_561 : vector<512x1xf32>
    %select_n3A_840 = arith.select %lt3A_839, %broadcast_in_dim3A_838, %select_n3A_562 : vector<512x1xi1>, vector<512x1xi32>
    %squeeze3A = vector.shape_cast %select_n3A_840 : vector<512x1xi32> to vector<512xi32>
    %swap3A = arith.constant 0 : index
    %swap3A_841 = vector.load %arg5[%swap3A] : memref<512xi32, #tpu.memory_space<vmem>>, vector<512xi32>
    tpu.vector_store %arg5[%swap3A], %squeeze3A {strides = array<i32>} : memref<512xi32, #tpu.memory_space<vmem>>, vector<512xi32>,
    return
  }
  func.func @transform_0(%arg0: i32) -> (i32, i32) {
    %c0_i32 = arith.constant 0 : i32
    %c0_i32_0 = arith.constant 0 : i32
    return %arg0, %c0_i32 : i32, i32
  }
  func.func @transform_1(%arg0: i32) -> (i32, i32) {
    %c0_i32 = arith.constant 0 : i32
    %c0_i32_0 = arith.constant 0 : i32
    return %arg0, %c0_i32 : i32, i32
  }
  func.func @transform_2(%arg0: i32) -> (i32, i32, i32) {
    %c0_i32 = arith.constant 0 : i32
    %c0_i32_0 = arith.constant 0 : i32
    %c0_i32_1 = arith.constant 0 : i32
    %c0_i32_2 = arith.constant 0 : i32
    return %c0_i32, %c0_i32_0, %c0_i32_1 : i32, i32, i32
  }
  func.func @transform_3(%arg0: i32) -> (i32, i32, i32) {
    %c0_i32 = arith.constant 0 : i32
    %c0_i32_0 = arith.constant 0 : i32
    %c0_i32_1 = arith.constant 0 : i32
    %c0_i32_2 = arith.constant 0 : i32
    return %c0_i32, %c0_i32_0, %c0_i32_1 : i32, i32, i32
  }
  func.func @transform_4(%arg0: i32) -> i32 {
    %c0_i32 = arith.constant 0 : i32
    return %arg0 : i32
  }
}

module attributes {stable_mosaic.version = 14 : i64} {
  func.func @_assemble_body(%arg0: i32, %arg1: memref<512x256xf32, #tpu.memory_space<vmem>>, %arg2: memref<512x256xf32, #tpu.memory_space<vmem>>, %arg3: memref<512x256xf32, #tpu.memory_space<vmem>>, %arg4: memref<1x1x1xf32, #tpu.memory_space<vmem>>, %arg5: memref<1x1x1xf32, #tpu.memory_space<vmem>>) attributes {dimension_semantics = [#tpu.dimension_semantics<arbitrary>], iteration_bounds = array<i64: 18>, scalar_prefetch = 0 : i64, scratch_operands = 0 : i64, tpu.core_type = #tpu.core_type<tc>, window_params = [{transform_indices = @transform_0, window_bounds = array<i64: 512, 256>}, {transform_indices = @transform_1, window_bounds = array<i64: 512, 256>}, {transform_indices = @transform_2, window_bounds = array<i64: 512, 256>}, {transform_indices = @transform_3, window_bounds = array<i64: 1, 1, 1>}, {transform_indices = @transform_4, window_bounds = array<i64: 1, 1, 1>}]} {
    %get3A = arith.constant 0 : index
    %get3A_0 = arith.constant 0 : index
    %get3A_1 = vector.load %arg1[%get3A, %get3A_0] : memref<512x256xf32, #tpu.memory_space<vmem>>, vector<512x256xf32>
    %get3A_2 = arith.constant 0 : index
    %get3A_3 = arith.constant 0 : index
    %get3A_4 = vector.load %arg2[%get3A_2, %get3A_3] : memref<512x256xf32, #tpu.memory_space<vmem>>, vector<512x256xf32>
    %sub3A = arith.subf %get3A_4, %get3A_1 : vector<512x256xf32>
    %add3A = arith.addf %get3A_1, %sub3A : vector<512x256xf32>
    %swap3A = arith.constant 0 : index
    %swap3A_5 = arith.constant 0 : index
    %swap3A_6 = vector.load %arg3[%swap3A, %swap3A_5] : memref<512x256xf32, #tpu.memory_space<vmem>>, vector<512x256xf32>
    tpu.vector_store %arg3[%swap3A, %swap3A_5], %add3A {strides = array<i32>} : memref<512x256xf32, #tpu.memory_space<vmem>>, vector<512x256xf32>,
    %mul3A = arith.mulf %sub3A, %sub3A : vector<512x256xf32>
    %reduce_sum3A = vector.shape_cast %mul3A : vector<512x256xf32> to vector<1x512x256xf32>
    %reduce_sum3A_7 = arith.constant dense<0.000000e+00> : vector<1xf32>
    %reduce_sum3A_8 = vector.multi_reduction <add>, %reduce_sum3A, %reduce_sum3A_7 [1, 2] : vector<1x512x256xf32> to vector<1xf32>
    %reduce_sum3A_9 = vector.shape_cast %reduce_sum3A_8 : vector<1xf32> to vector<1x1x1xf32>
    %reduce_sum3A_10 = vector.extract %reduce_sum3A_9[0, 0, 0] : f32 from vector<1x1x1xf32>
    %reshape3A = vector.broadcast %reduce_sum3A_10 : f32 to vector<1x1x1xf32>
    %swap3A_11 = arith.constant 0 : index
    %swap3A_12 = arith.constant 0 : index
    %swap3A_13 = arith.constant 0 : index
    %swap3A_14 = vector.load %arg4[%swap3A_11, %swap3A_12, %swap3A_13] : memref<1x1x1xf32, #tpu.memory_space<vmem>>, vector<1x1x1xf32>
    tpu.vector_store %arg4[%swap3A_11, %swap3A_12, %swap3A_13], %reshape3A {strides = array<i32>} : memref<1x1x1xf32, #tpu.memory_space<vmem>>, vector<1x1x1xf32>,
    %ne3A = arith.cmpf one, %add3A, %add3A : vector<512x256xf32>
    %abs3A = math.absf %add3A : vector<512x256xf32>
    %eq3A = arith.constant 0x7F800000 : f32
    %eq3A_15 = vector.broadcast %eq3A : f32 to vector<512x256xf32>
    %eq3A_16 = arith.cmpf oeq, %abs3A, %eq3A_15 : vector<512x256xf32>
    %or3A = arith.ori %ne3A, %eq3A_16 : vector<512x256xi1>
    %reduce_or3A = arith.constant 1.000000e+00 : f32
    %reduce_or3A_17 = arith.constant 0.000000e+00 : f32
    %reduce_or3A_18 = vector.broadcast %reduce_or3A : f32 to vector<512x256xf32>
    %reduce_or3A_19 = vector.broadcast %reduce_or3A_17 : f32 to vector<512x256xf32>
    %reduce_or3A_20 = arith.select %or3A, %reduce_or3A_18, %reduce_or3A_19 : vector<512x256xi1>, vector<512x256xf32>
    %reduce_or3A_21 = vector.shape_cast %reduce_or3A_20 : vector<512x256xf32> to vector<1x512x256xf32>
    %reduce_or3A_22 = arith.constant dense<0xFF800000> : vector<1xf32>
    %reduce_or3A_23 = vector.multi_reduction <maximumf>, %reduce_or3A_21, %reduce_or3A_22 [1, 2] : vector<1x512x256xf32> to vector<1xf32>
    %reduce_or3A_24 = vector.shape_cast %reduce_or3A_23 : vector<1xf32> to vector<1x1x1xf32>
    %reduce_or3A_25 = vector.extract %reduce_or3A_24[0, 0, 0] : f32 from vector<1x1x1xf32>
    %reduce_or3A_26 = arith.constant 0.000000e+00 : f32
    %reduce_or3A_27 = arith.cmpf ogt, %reduce_or3A_25, %reduce_or3A_26 : f32
    %convert_element_type3A = arith.extui %reduce_or3A_27 : i1 to i32
    %convert_element_type3A_28 = arith.sitofp %convert_element_type3A : i32 to f32
    %reshape3A_29 = vector.broadcast %convert_element_type3A_28 : f32 to vector<1x1x1xf32>
    %swap3A_30 = arith.constant 0 : index
    %swap3A_31 = arith.constant 0 : index
    %swap3A_32 = arith.constant 0 : index
    %swap3A_33 = vector.load %arg5[%swap3A_30, %swap3A_31, %swap3A_32] : memref<1x1x1xf32, #tpu.memory_space<vmem>>, vector<1x1x1xf32>
    tpu.vector_store %arg5[%swap3A_30, %swap3A_31, %swap3A_32], %reshape3A_29 {strides = array<i32>} : memref<1x1x1xf32, #tpu.memory_space<vmem>>, vector<1x1x1xf32>,
    return
  }
  func.func @transform_0(%arg0: i32) -> (i32, i32) {
    %c0_i32 = arith.constant 0 : i32
    %c0_i32_0 = arith.constant 0 : i32
    return %arg0, %c0_i32 : i32, i32
  }
  func.func @transform_1(%arg0: i32) -> (i32, i32) {
    %c0_i32 = arith.constant 0 : i32
    %c0_i32_0 = arith.constant 0 : i32
    return %arg0, %c0_i32 : i32, i32
  }
  func.func @transform_2(%arg0: i32) -> (i32, i32) {
    %c0_i32 = arith.constant 0 : i32
    %c0_i32_0 = arith.constant 0 : i32
    return %arg0, %c0_i32 : i32, i32
  }
  func.func @transform_3(%arg0: i32) -> (i32, i32, i32) {
    %c0_i32 = arith.constant 0 : i32
    %c0_i32_0 = arith.constant 0 : i32
    %c0_i32_1 = arith.constant 0 : i32
    return %arg0, %c0_i32, %c0_i32_0 : i32, i32, i32
  }
  func.func @transform_4(%arg0: i32) -> (i32, i32, i32) {
    %c0_i32 = arith.constant 0 : i32
    %c0_i32_0 = arith.constant 0 : i32
    %c0_i32_1 = arith.constant 0 : i32
    return %arg0, %c0_i32, %c0_i32_0 : i32, i32, i32
  }
}

</mosaic_0001>

<sc_bundles>
// kernel: kernel.5.cloned.1.call-start
scs
__scs_entry_jumppad:
0x0: {  	(pc) =	sbr.rel $0x88, $3  }
0x1: {  	(tag) =	ssettag $0x0;
	lr =	simm.s32 $0x1  }
0x2: {  	[smem:$0x3F9F] =	sst lr;
	_ =	strace $0xD0000000  }
0x3: {  	_ = 	snop  }
0x4: {  	_ = 	snop  }
0x5: {  	_ = 	snop  }
0x6: {  	_ = 	snop  }
0x7: {  	_ = 	snop  }
__scs_overlays_trampoline_lowered:
0x8: {  	[smem:$0x3FAE] =	sst s0  }
0x9: {  	[smem:$0x3FAF] =	sst s1  }
0xa: {  	[smem:$0x3FB0] =	sst s2  }
0xb: {  	[smem:$0x3FB1] =	sst s3  }
0xc: {  	[smem:$0x3FB2] =	sst s4  }
0xd: {  	[smem:$0x3FB3] =	sst s5  }
0xe: {  	[smem:$0x3FB4] =	sst s6  }
0xf: {  	[smem:$0x3FB5] =	sst s7  }
0x10: {  	[smem:$0x3FB6] =	sst s8  }
0x11: {  	[smem:$0x3FB7] =	sst s9;
	s0 =	simm.s32 @!p0 $0x0  }
0x12: {  	s1 =	sld [smem:$0x3F9D];
	s0 =	simm.s32 @p0 $0x1  }
0x13: {  	[smem:$0x3FB8] =	sst s0;
	s0 =	simm.s32 @!p1 $0x0  }
0x14: {  	s2 =	sld [smem:$0x3F9C];
	s0 =	simm.s32 @p1 $0x1  }
0x15: {  	[smem:$0x3FB9] =	sst s0;
	s0 =	simm.s32 @!p2 $0x0  }
0x16: {  	s3 =	sld [smem:$0x3FDB];
	s0 =	simm.s32 @p2 $0x1  }
0x17: {  	s4 =	simm.s32 $0x1BF5;
	[smem:$0x3FBB] =	sst s0  }
0x18: {  	s0 =	sld [smem:$0x3F9E];
	_ =	swait.ge [sflag:s4], $0x0  }
0x19: {  	s7 =	sld [smem:$0x3F9F]  }
0x1a: {  	s8 =	sadd.s32 $0xFFFFE003, lr  }
0x1b: {  	s9 =	sadd.s32 $0xFFFFFEF7, lr;
	s5 =	simm.s32 $0xFFFFFFFF;
	p2 =	slt.u32 s8, $0xFFFFF086  }
0x1c: {  	p1 =	slt.u32 s9, $0xF7A;
	s5 =	simm.s32 @!p2 $0x0  }
0x1d: {  	s5 =	simm.s32 @p1 $0x1;
	p0 =	seq.s32 s7, s2  }
0x1e: {  	s7 =	smul.u32 @!p0 $0xF7A, s2;
	p2 =	seq.s32 @!p0 s5, $0x0  }
0x1f: {  	s9 =	smul.u32 $0xF7A, s1;
	s8 =	simm.s32 @!p0 $0x1BF5;
	p2 =	por !p2, p0  }
0x20: {  	[sflag:s8] =	ssyncset.s32 @!p0 $0xFFFFF086;
	s6 =	sadd.s32 @!p0 s3, s7;
	s7 =	simm.s32 @!p0 $0x108  }
0x21: {  	s3 =	sadd.s32 s3, s9;
	s6 =	sadd.s32 @!p0 $0x88, s6;
	s7 =	simm.s32 @p2 $0x1082  }
0x22: {  	[simem:s7], [sflag:s8] =	dma.local @!p0 [hbm:s6], $0xF7A  }
0x23: {  	s9 =	sor.u32 $0xD0000000, s2;
	s6 =	simm.s32 $0x108;
	_ =	swait.ge @!p0 [sflag:s8], $0x0  }
0x24: {  	s3 =	sadd.s32 $0x88, s3;
	s6 =	simm.s32 @!p1 $0x1082;
	[sflag:s4] =	ssyncset.s32 $0xFFFFF086  }
0x25: {  	[simem:s6], [sflag:s4] =	dma.local [hbm:s3], $0xF7A  }
0x26: {  	[smem:$0x3F9F] =	sst s1;
	(tag) =	ssettag s2;
	_ =	strace s9  }
0x27: {  	s1 =	sld [smem:$0x3FAF]  }
0x28: {  	s2 =	sld [smem:$0x3FB0]  }
0x29: {  	s4 =	sld [smem:$0x3FB2]  }
0x2a: {  	p0 =	seq.s32 s5, $0x0;
	s5 =	sld [smem:$0x3FB3]  }
0x2b: {  	s6 =	sld [smem:$0x3FB4]  }
0x2c: {  	s7 =	sld [smem:$0x3FB5]  }
0x2d: {  	s3 =	simm.s32 $0x108;
	s8 =	sld [smem:$0x3FB6]  }
0x2e: {  	s3 =	simm.s32 @!p0 $0x1082;
	s9 =	sld [smem:$0x3FB7]  }
0x2f: {  	lr =	sadd.s32 s0, s3;
	s0 =	sld [smem:$0x3FAE]  }
0x30: {  	s3 =	sld [smem:$0x3FB1]  }
0x31: {  	[smem:$0x3FBA] =	sst s10  }
0x32: {  	s10 =	sld [smem:$0x3FB8];
	_ =	sdelay $0x3  }
0x33: {  	p0 =	seq.s32 s10, $0x1;
	s10 =	sld [smem:$0x3FBA];
	_ =	sdelay $0x3  }
0x34: {  	[smem:$0x3FBA] =	sst s10  }
0x35: {  	s10 =	sld [smem:$0x3FB9];
	_ =	sdelay $0x3  }
0x36: {  	p1 =	seq.s32 s10, $0x1;
	s10 =	sld [smem:$0x3FBA];
	_ =	sdelay $0x3  }
0x37: {  	[smem:$0x3FBA] =	sst s10  }
0x38: {  	s10 =	sld [smem:$0x3FBB]  }
0x39: {  	_ = 	snop;
	(pc) =	sbr.ind lr, $3  }
0x3a: {  	_ = 	snop  }
0x3b: {  	_ = 	snop  }
0x3c: {  	p2 =	seq.s32 s10, $0x1;
	s10 =	sld [smem:$0x3FBA]  }
0x3d: {  	_ =	shalt  }
0x3e: {  	_ =	shalt  }
0x3f: {  	_ =	shalt  }
0x40: {  	_ =	shalt  }
0x41: {  	_ =	shalt  }
0x42: {  	_ =	shalt  }
0x43: {  	_ =	shalt  }
0x44: {  	_ =	shalt  }
0x45: {  	_ =	shalt  }
0x46: {  	_ =	shalt  }
0x47: {  	_ =	shalt  }
0x48: {  	_ =	shalt  }
0x49: {  	_ =	shalt  }
0x4a: {  	_ =	shalt  }
0x4b: {  	_ =	shalt  }
0x4c: {  	_ =	shalt  }
0x4d: {  	_ =	shalt  }
0x4e: {  	_ =	shalt  }
0x4f: {  	_ =	shalt  }
0x50: {  	_ =	shalt  }
0x51: {  	_ =	shalt  }
0x52: {  	_ =	shalt  }
0x53: {  	_ =	shalt  }
0x54: {  	_ =	shalt  }
0x55: {  	_ =	shalt  }
0x56: {  	_ =	shalt  }
0x57: {  	_ =	shalt  }
0x58: {  	_ =	shalt  }
0x59: {  	_ =	shalt  }
0x5a: {  	_ =	shalt  }
0x5b: {  	_ =	shalt  }
0x5c: {  	_ =	shalt  }
0x5d: {  	_ =	shalt  }
0x5e: {  	_ =	shalt  }
0x5f: {  	_ =	shalt  }
0x60: {  	_ =	shalt  }
0x61: {  	_ =	shalt  }
0x62: {  	_ =	shalt  }
0x63: {  	_ =	shalt  }
0x64: {  	_ =	shalt  }
0x65: {  	_ =	shalt  }
0x66: {  	_ =	shalt  }
0x67: {  	_ =	shalt  }
0x68: {  	_ =	shalt  }
0x69: {  	_ =	shalt  }
0x6a: {  	_ =	shalt  }
0x6b: {  	_ =	shalt  }
0x6c: {  	_ =	shalt  }
0x6d: {  	_ =	shalt  }
0x6e: {  	_ =	shalt  }
0x6f: {  	_ =	shalt  }
0x70: {  	_ =	shalt  }
0x71: {  	_ =	shalt  }
0x72: {  	_ =	shalt  }
0x73: {  	_ =	shalt  }
0x74: {  	_ =	shalt  }
0x75: {  	_ =	shalt  }
0x76: {  	_ =	shalt  }
0x77: {  	_ =	shalt  }
0x78: {  	_ =	shalt  }
0x79: {  	_ =	shalt  }
0x7a: {  	_ =	shalt  }
0x7b: {  	_ =	shalt  }
0x7c: {  	_ =	shalt  }
0x7d: {  	_ =	shalt  }
0x7e: {  	_ =	shalt  }
0x7f: {  	_ =	shalt  }
0x80: {  	_ =	shalt  }
0x81: {  	_ =	shalt  }
0x82: {  	_ =	shalt  }
0x83: {  	_ =	shalt  }
0x84: {  	_ =	shalt  }
0x85: {  	_ =	shalt  }
0x86: {  	_ =	shalt  }
0x87: {  	_ =	shalt  }
.Lfunc_end0:
.L_simem_size_0:
called_computation_lowered:
.L_overlay_start_0:
0x88: {  	s2 =	sld [smem:$0x3FD9]  }
0x89: {  	s3 =	sld [smem:$0x3FFE];
	_ =	sdelay $0x1  }
0x8a: {  	s1 =	srdreg.scid  }
0x8b: {  	s0 =	sand.u32 $0x1, s1  }
0x8c: {  	s14 =	sshll.u32 s0, $0xA;
	s2 =	sadd.s32 s3, s2  }
0x8d: {  	s2 =	sadd.s32 s2, s14  }
0x8e: {  	[smem:$0x3FC6] =	sst s2  }
0x8f: {  	_ = 	snop  }
0x90: {  	s2 =	sld [smem:$0x3FD0];
	_ =	sdelay $0x2  }
0x91: {  	s4 =	simm.s32 $0xA;
	s5 =	simm.s32 $0x10;
	s15 =	sld [smem:$0x3FC8]  }
0x92: {  	[smem:s5], [sflag:s4] =	dma.local [hbm:s2], $0x1  }
0x93: {  	_ =	swait.eq [sflag:s4], $0x1  }
0x94: {  	[sflag:s4] =	ssyncset.done $0x0  }
0x95: {  	[sflag:s4] =	ssyncadd.s32 $0xFFFFFFFF  }
0x96: {  	s16 =	sld [smem:$0x10];
	(tm) =	ssettm $0x1  }
0x97: {  	s17 =	sld [smem:$0x3FFB];
	_ =	sdelay $0x3  }
0x98: {  	_ =	strace s17  }
0x99: {  	s4 =	sld [smem:$0x3FFC];
	_ =	sdelay $0x3  }
0x9a: {  	_ =	strace s4  }
0x9b: {  	s4 =	sld [smem:$0x3FFD];
	_ =	sdelay $0x3  }
0x9c: {  	_ =	strace s4  }
0x9d: {  	_ =	strace $0x8FFFFFFF  }
0x9e: {  	s18 =	sld [smem:$0x3FDB];
	_ =	sdelay $0x1  }
0x9f: {  	s19 =	simm.s32 $_scs_section_size  }
0xa0: {  	s6 =	simm.s32 $_size__tile_overlayer_lowered;
	s7 =	simm.s32 $_tile_overlayer_lowered  }
0xa1: {  	s22 =	simm.s32 $0x1BFF;
	s21 =	sshll.u32 s7, $0x1;
	s4 =	sadd.s32 s19, s18  }
0xa2: {  	s8 =	simm.s32 $0x0;
	s20 =	sshll.u32 s6, $0x1;
	s6 =	sadd.s32 s21, s4  }
0xa3: {  	[timem:s8], [sflag:s22] =	dma.local [hbm:s6], s20  }
0xa4: {  	_ =	swait.ge [sflag:s22], s20  }
0xa5: {  	s5 =	ssub.s32 $0x0, s20;
	[sflag:s22] =	ssyncset.done $0x0  }
0xa6: {  	[sflag:s22] =	ssyncadd.s32 s5;
	_ =	sdelay $0x1  }
0xa7: {  	s23 =	simm.s32 $0x1B8B  }
0xa8: {  	_ =	swait.ge [sflag:s23], $0x1  }
0xa9: {  	[sflag:s23] =	ssyncset.done $0x0  }
0xaa: {  	s25 =	simm.s32 $0x1B8E;
	s24 =	sld [smem:$0x3FFE];
	[sflag:s23] =	ssyncadd.s32 $0xFFFFFFFF  }
0xab: {  	s26 =	simm.s32 $execute0_lowered;
	[smem:$0x3FD2] =	sst s25  }
0xac: {  	s6 =	sshll.u32 s26, $0x1;
	_ =	strace $0x80000046;
	[dreg:$0x1] =	wrdreg $0xFFFFFFFF  }
0xad: {  	s28 =	simm.s32 $_size_execute0_lowered;
	s4 =	sadd.s32 s4, s6;
	[dreg:$0x0] =	wrdreg $0x0  }
0xae: {  	s6 =	sshll.u32 s28, $0x1;
	[dreg:$0x2] =	wrdreg s4  }
0xaf: {  	[dreg:$0x3] =	wrdreg s6  }
0xb0: {  	[dreg:$0x4] =	wrdreg $0xC0  }
0xb1: {  	_ =	task [dreg:s8], $0x5FFFF  }
0xb2: {  	[dreg:$0x1] =	wrdreg $0xFFFFFFFF  }
0xb3: {  	[dreg:$0x0] =	wrdreg $0x60  }
0xb4: {  	[dreg:$0x2] =	wrdreg s15  }
0xb5: {  	[dreg:$0x3] =	wrdreg s24  }
0xb6: {  	[dreg:$0x4] =	wrdreg s16  }
0xb7: {  	[dreg:$0x5] =	wrdreg $0x9  }
0xb8: {  	_ =	task.clear_ibuf [dreg:s8], $0x6FFFF;
	_ =	strace $0x90000046  }
0xb9: {  	s29 =	simm.s32 $0x9;
	_ =	strace $0x8000004F  }
0xba: {  	_ =	swait.ge [sflag:s29], $0x1  }
0xbb: {  	[sflag:s29] =	ssyncadd.s32 $0xFFFFFFFF  }
0xbc: {  	_ =	strace $0x9000004F  }
0xbd: {  	_ =	sfence  }
0xbe: {  	s30 =	sld [smem:$0x0];
	_ =	sdelay $0x2  }
0xbf: {  	s31 =	sshll.u32 s1, $0xD;
	s1 =	sshrl.u32 s1, $0x2  }
0xc0: {  	s3 =	sand.u32 $0x4000, s31;
	s1 =	sadd.s32 s1, s30  }
0xc1: {  	s0 =	sor.u32 s3, s0;
	s1 =	sshll.u32 s1, $0x11  }
0xc2: {  	s0 =	sor.u32 s1, s0  }
0xc3: {  	s0 =	sadd.s32 $0x8F2B, s0  }
0xc4: {  	[sflag:s0] =	ssyncadd.remote.s32 $0x1  }
0xc5: {  	_ =	sfence.sel $0xFFFF  }
0xc6: {  	[dreg:$0x0] =	wrdreg $0xFFFFFFFF;
	(pc) =	sbr.abs _section_cstart, $3  }
0xc7: {  	[dreg:$0x1] =	wrdreg $0xFFFFFFFF  }
0xc8: {  	_ =	task.clear_ibuf [dreg:s8], $0x2FFFF;
	_ =	strace $0x9FFFFFFF  }
0xc9: {  	(tm) =	ssettm $0x7FFFFFFF  }
tec
execute0_lowered:
.L_overlay_start_1:
0x0: {  	(tag) =	ssettag $0x1  }
0x1: {  	s0 =	rddreg [dreg:$0x0]  }
0x2: {  	s5 =	rddreg [dreg:$0x1]  }
0x3: {  	s1 =	srdreg.scid;
	s2 =	rddreg [dreg:$0x2]  }
0x4: {  	s10 =	simm.s32 $0x5;
	s11 =	simm.s32 $0x0;
	s6 =	sand.u32 $0x1, s1  }
0x5: {  	[dreg:$0x4] =	wrdreg s2;
	s2 =	stileid.u32;
	s3 =	sshll.u32 s6, $0x4  }
0x6: {  	s1 =	rddreg [dreg:$0x3];
	s5 =	sadd.s32 $0x600, s5;
	s4 =	sor.u32 s2, s3  }
0x7: {  	s30 =	ssub.s32 $0x2, s6;
	s7 =	smul.u32 $0x3, s4;
	s8 =	sshll.u32 s4, $0x1  }
0x8: {  	s6 =	simm.s32 $0x3;
	p0 =	slt.u32 s4, $0x8;
	s4 =	sadd.s32 $0x8, s8  }
0x9: {  	s3 =	simm.s32 $0x0;
	s9 =	sshrl.u32 s30, $0x1;
	s4 =	smov.u32 @p0 s7  }
0xa: {  	v2 =	vlaneseq.u32;
	[smem:$0x7FF] =	sst s3;
	s9 =	ssub.s32 s30, s9;
	s31 =	sshll.u32 s4, $0x4  }
0xb: {  	vm0 =	vmmov $0xffff;
	v1 =	vshrl.u32 v2, $0x3;
	_ =	strace $0x80000047;
	s6 =	simm.s32 @!p0 $0x2;
	s8 =	sand.u32 $0x1FFFFFF0, s31  }
0xc: {  	v0 =	vand.u32 $0x7, v2;
	v2 =	vor.u32 $0x8, v2;
	v1 =	vmul.u32 $0x8, v1;
	s9 =	smax.u32 s9, $0x1;
	s7 =	sadd.s32 s5, s8;
	s8 =	sadd.s32 $0xFFFFFFFF, s6  }
.LBB2_1:
0xd: {  	_ =	strace $0x80000048;
	s13 =	simm.s32 $0x0  }
0xe: {  	s12 =	simm.s32 $0x0;
	s14 =	simm.s32 $0x0;
	s15 =	simm.s32 $0x0  }
0xf: {  	[tilespmem:s3], [sflag:$0x1] =	stream.linear.gather [hbm4b:s7+s3], $0x80, $0x200038;
	[tilespmem:$0x10100] =	vst v63  }
0x10: {  	s16 =	simm.s32 $0x1;
	s17 =	simm.s32 $0x0;
	_ =	strace $0x90000048  }
.LBB2_2:
0x11: {  	s18 =	smov.u32 s13;
	s13 =	sadd.s32 $0x1, s13  }
0x12: {  	p0 =	seq.s32 s13, s6  }
0x13: {  	s13 =	simm.s32 @p0 $0x0  }
0x14: {  	p6 =	slt.u32 s17, s8;
	p1 =	sne.s32 s18, s13  }
0x15: {  	p0 =	por !p6, !p1  }
0x16: {  	p0 =	por !p0, !p0  }
0x17: {  	s19 =	sadd.s32 @p0 s4, s13  }
0x18: {  	s20 =	sand.u32 @p0 $0x1, s16;
	s19 =	sshll.u32 @p0 s19, $0x4  }
0x19: {  	_ =	strace @p0 $0x80000049;
	s22 =	simm.s32 @p0 $0x0;
	s19 =	sand.u32 @p0 $0x1FFFFFF0, s19  }
0x1a: {  	s21 =	sshll.u32 @p0 s20, $0x7;
	s20 =	sadd.s32 @p0 $0x1, s20;
	s19 =	sadd.s32 @p0 s5, s19  }
0x1b: {  	[tilespmem:s21], [sflag:s20] =	stream.linear.gather @p0 [hbm4b:s19+s22], $0x80, $0x200038;
	[tilespmem:$0x10100] =	vst v63  }
0x1c: {  	s23 =	sand.u32 $0x1, s15;
	_ =	strace @p0 $0x90000049  }
0x1d: {  	s19 =	sadd.s32 $0x1, s23;
	_ =	strace $0x8000004A  }
0x1e: {  	_ =	swait.ge [sflag:s19], $0x80  }
0x1f: {  	[sflag:s19] =	ssyncset.done $0x0  }
0x20: {  	[sflag:s19] =	ssyncadd.s32 $0xFFFFFF80  }
0x21: {  	s24 =	sshll.u32 s15, $0x7;
	_ =	strace $0x9000004A  }
0x22: {  	s22 =	sand.u32 $0x80, s24;
	_ =	strace $0x8000004B  }
0x23: {  	v3 =	vld [tilespmem:s22+$0x0];
	_ =	sdelay $0x4  }
0x24: {  	v4 =	vshll.u32 v3, $0x1  }
0x25: {  	v3 =	vand.u32 $0x7, v3;
	v4 =	vand.u32 $0xFFFFFFF0, v4  }
0x26: {  	v3 =	vor.u32 v3, v4  }
0x27: {  	v4 =	vperm.xlane v3, v0;
	_ =	sdelay $0x1  }
0x28: {  	v3 =	vperm.xlane v3, v2;
	v4 =	vadd.s32 v1, v4;
	_ =	sdelay $0x1  }
0x29: {  	s19 =	sand.u32 $0x1, s14;
	v3 =	vadd.s32 v1, v3  }
0x2a: {  	s21 =	sshll.u32 s19, $0xF  }
0x2b: {  	s20 =	sor.u32 $0x100, s21  }
0x2c: {  	[tilespmem:s20], [sflag:$0x5] =	stream.indirect_vreg.gather [hbm4b:s0+s3], $0x80, v4, vm0, $0x2000b8;
	[tilespmem:$0x10100] =	vst v63  }
0x2d: {  	s23 =	sor.u32 $0x900, s21  }
0x2e: {  	[tilespmem:s23], [sflag:$0x5] =	stream.indirect_vreg.gather [hbm4b:s0+s3], $0x80, v3, vm0, $0x2000b8;
	[tilespmem:$0x10100] =	vst v63  }
0x2f: {  	v3 =	vld [tilespmem:s22+$0x10];
	_ =	sdelay $0x4  }
0x30: {  	v57 =	vshll.u32 v3, $0x1  }
0x31: {  	v3 =	vand.u32 $0x7, v3;
	v4 =	vand.u32 $0xFFFFFFF0, v57  }
0x32: {  	v3 =	vor.u32 v3, v4  }
0x33: {  	v4 =	vperm.xlane v3, v0;
	_ =	sdelay $0x1  }
0x34: {  	v3 =	vperm.xlane v3, v2;
	v4 =	vadd.s32 v1, v4;
	_ =	sdelay $0x1  }
0x35: {  	v3 =	vadd.s32 v1, v3;
	_ =	sdelay $0x1  }
0x36: {  	s25 =	sor.u32 $0x1100, s21  }
0x37: {  	[tilespmem:s25], [sflag:$0x5] =	stream.indirect_vreg.gather [hbm4b:s0+s3], $0x80, v4, vm0, $0x2000b8;
	[tilespmem:$0x10100] =	vst v63  }
0x38: {  	s26 =	sor.u32 $0x1900, s21  }
0x39: {  	[tilespmem:s26], [sflag:$0x5] =	stream.indirect_vreg.gather [hbm4b:s0+s3], $0x80, v3, vm0, $0x2000b8;
	[tilespmem:$0x10100] =	vst v63  }
0x3a: {  	v3 =	vld [tilespmem:s22+$0x20];
	_ =	sdelay $0x4  }
0x3b: {  	v58 =	vshll.u32 v3, $0x1  }
0x3c: {  	v3 =	vand.u32 $0x7, v3;
	v4 =	vand.u32 $0xFFFFFFF0, v58  }
0x3d: {  	v3 =	vor.u32 v3, v4  }
0x3e: {  	v4 =	vperm.xlane v3, v0;
	_ =	sdelay $0x1  }
0x3f: {  	v3 =	vperm.xlane v3, v2;
	v4 =	vadd.s32 v1, v4;
	_ =	sdelay $0x1  }
0x40: {  	v3 =	vadd.s32 v1, v3;
	_ =	sdelay $0x1  }
0x41: {  	s28 =	sor.u32 $0x2100, s21  }
0x42: {  	[tilespmem:s28], [sflag:$0x5] =	stream.indirect_vreg.gather [hbm4b:s0+s3], $0x80, v4, vm0, $0x2000b8;
	[tilespmem:$0x10100] =	vst v63  }
0x43: {  	s29 =	sor.u32 $0x2900, s21  }
0x44: {  	[tilespmem:s29], [sflag:$0x5] =	stream.indirect_vreg.gather [hbm4b:s0+s3], $0x80, v3, vm0, $0x2000b8;
	[tilespmem:$0x10100] =	vst v63  }
0x45: {  	v3 =	vld [tilespmem:s22+$0x30];
	_ =	sdelay $0x4  }
0x46: {  	v59 =	vshll.u32 v3, $0x1  }
0x47: {  	v3 =	vand.u32 $0x7, v3;
	v4 =	vand.u32 $0xFFFFFFF0, v59  }
0x48: {  	v3 =	vor.u32 v3, v4  }
0x49: {  	v4 =	vperm.xlane v3, v0;
	_ =	sdelay $0x1  }
0x4a: {  	v3 =	vperm.xlane v3, v2;
	v4 =	vadd.s32 v1, v4;
	_ =	sdelay $0x1  }
0x4b: {  	v3 =	vadd.s32 v1, v3;
	_ =	sdelay $0x1  }
0x4c: {  	s30 =	sor.u32 $0x3100, s21  }
0x4d: {  	[tilespmem:s30], [sflag:$0x5] =	stream.indirect_vreg.gather [hbm4b:s0+s3], $0x80, v4, vm0, $0x2000b8;
	[tilespmem:$0x10100] =	vst v63  }
0x4e: {  	s31 =	sor.u32 $0x3900, s21  }
0x4f: {  	[tilespmem:s31], [sflag:$0x5] =	stream.indirect_vreg.gather [hbm4b:s0+s3], $0x80, v3, vm0, $0x2000b8;
	[tilespmem:$0x10100] =	vst v63  }
0x50: {  	v3 =	vld [tilespmem:s22+$0x40];
	_ =	sdelay $0x4  }
0x51: {  	v60 =	vshll.u32 v3, $0x1  }
0x52: {  	v3 =	vand.u32 $0x7, v3;
	v4 =	vand.u32 $0xFFFFFFF0, v60  }
0x53: {  	v3 =	vor.u32 v3, v4  }
0x54: {  	v4 =	vperm.xlane v3, v0;
	_ =	sdelay $0x1  }
0x55: {  	v3 =	vperm.xlane v3, v2;
	v4 =	vadd.s32 v1, v4;
	_ =	sdelay $0x1  }
0x56: {  	v3 =	vadd.s32 v1, v3;
	_ =	sdelay $0x1  }
0x57: {  	s24 =	sor.u32 $0x4100, s21  }
0x58: {  	[tilespmem:s24], [sflag:$0x5] =	stream.indirect_vreg.gather [hbm4b:s0+s3], $0x80, v4, vm0, $0x2000b8;
	[tilespmem:$0x10100] =	vst v63  }
0x59: {  	s25 =	sor.u32 $0x4900, s21  }
0x5a: {  	[tilespmem:s25], [sflag:$0x5] =	stream.indirect_vreg.gather [hbm4b:s0+s3], $0x80, v3, vm0, $0x2000b8;
	[tilespmem:$0x10100] =	vst v63  }
0x5b: {  	v3 =	vld [tilespmem:s22+$0x50];
	_ =	sdelay $0x4  }
0x5c: {  	v61 =	vshll.u32 v3, $0x1  }
0x5d: {  	v3 =	vand.u32 $0x7, v3;
	v4 =	vand.u32 $0xFFFFFFF0, v61  }
0x5e: {  	v3 =	vor.u32 v3, v4  }
0x5f: {  	v4 =	vperm.xlane v3, v0;
	_ =	sdelay $0x1  }
0x60: {  	v3 =	vperm.xlane v3, v2;
	v4 =	vadd.s32 v1, v4;
	_ =	sdelay $0x1  }
0x61: {  	v3 =	vadd.s32 v1, v3;
	_ =	sdelay $0x1  }
0x62: {  	s26 =	sor.u32 $0x5100, s21  }
0x63: {  	[tilespmem:s26], [sflag:$0x5] =	stream.indirect_vreg.gather [hbm4b:s0+s3], $0x80, v4, vm0, $0x2000b8;
	[tilespmem:$0x10100] =	vst v63  }
0x64: {  	s28 =	sor.u32 $0x5900, s21  }
0x65: {  	[tilespmem:s28], [sflag:$0x5] =	stream.indirect_vreg.gather [hbm4b:s0+s3], $0x80, v3, vm0, $0x2000b8;
	[tilespmem:$0x10100] =	vst v63  }
0x66: {  	v3 =	vld [tilespmem:s22+$0x60];
	_ =	sdelay $0x4  }
0x67: {  	v62 =	vshll.u32 v3, $0x1  }
0x68: {  	v3 =	vand.u32 $0x7, v3;
	v4 =	vand.u32 $0xFFFFFFF0, v62  }
0x69: {  	v3 =	vor.u32 v3, v4  }
0x6a: {  	v4 =	vperm.xlane v3, v0;
	_ =	sdelay $0x1  }
0x6b: {  	v3 =	vperm.xlane v3, v2;
	v4 =	vadd.s32 v1, v4;
	_ =	sdelay $0x1  }
0x6c: {  	v3 =	vadd.s32 v1, v3;
	_ =	sdelay $0x1  }
0x6d: {  	s29 =	sor.u32 $0x6100, s21  }
0x6e: {  	[tilespmem:s29], [sflag:$0x5] =	stream.indirect_vreg.gather [hbm4b:s0+s3], $0x80, v4, vm0, $0x2000b8;
	[tilespmem:$0x10100] =	vst v63  }
0x6f: {  	s30 =	sor.u32 $0x6900, s21  }
0x70: {  	[tilespmem:s30], [sflag:$0x5] =	stream.indirect_vreg.gather [hbm4b:s0+s3], $0x80, v3, vm0, $0x2000b8;
	[tilespmem:$0x10100] =	vst v63  }
0x71: {  	v3 =	vld [tilespmem:s22+$0x70];
	_ =	sdelay $0x4  }
0x72: {  	v63 =	vshll.u32 v3, $0x1  }
0x73: {  	v3 =	vand.u32 $0x7, v3;
	v4 =	vand.u32 $0xFFFFFFF0, v63  }
0x74: {  	v3 =	vor.u32 v3, v4  }
0x75: {  	v4 =	vperm.xlane v3, v0;
	_ =	sdelay $0x1  }
0x76: {  	v3 =	vperm.xlane v3, v2;
	v4 =	vadd.s32 v1, v4;
	_ =	sdelay $0x1  }
0x77: {  	v3 =	vadd.s32 v1, v3;
	_ =	sdelay $0x1  }
0x78: {  	s31 =	sor.u32 $0x7100, s21  }
0x79: {  	[tilespmem:s31], [sflag:$0x5] =	stream.indirect_vreg.gather [hbm4b:s0+s3], $0x80, v4, vm0, $0x2000b8;
	[tilespmem:$0x10100] =	vst v63  }
0x7a: {  	s21 =	sor.u32 $0x7900, s21  }
0x7b: {  	[tilespmem:s21], [sflag:$0x5] =	stream.indirect_vreg.gather [hbm4b:s0+s3], $0x80, v3, vm0, $0x2000b8;
	[tilespmem:$0x10100] =	vst v63  }
0x7c: {  	_ =	swait.ge [sflag:s10], $0x8000  }
0x7d: {  	p2 =	seq.s32 s8, s17;
	[sflag:s10] =	ssyncset.done $0x0  }
0x7e: {  	s18 =	sadd.s32 s4, s18;
	p1 =	por p2, p1;
	[sflag:s10] =	ssyncadd.s32 $0xFFFF8000  }
0x7f: {  	s18 =	sshll.u32 @p1 s18, $0xC;
	_ =	strace $0x9000004B  }
0x80: {  	s18 =	sand.u32 @p1 $0x1FFFF000, s18;
	s22 =	simm.s32 $0x1;
	_ =	strace @p1 $0x8000004C  }
0x81: {  	s19 =	sadd.s32 @p1 $0x3, s19;
	s22 =	simm.s32 @!p0 $0x0;
	s21 =	rddreg [dreg:$0x4]  }
0x82: {  	p0 =	seq.s32 s17, $0x0;
	s18 =	sadd.s32 @p1 s21, s18;
	s21 =	simm.s32 @p1 $0x0  }
0x83: {  	[hbm4b:s18+s21] =	stream.linear.scatter @p1 [tilespmem:s20], [sflag:s19], $0x8000, $0x200038;
	[tilespmem:$0x10100] =	vst v63  }
0x84: {  	s18 =	simm.s32 $0x1;
	s20 =	simm.s32 $0x1;
	_ =	strace @p1 $0x9000004C  }
0x85: {  	s18 =	simm.s32 @!p1 $0x0;
	p1 =	sne.s32 s17, $0x0;
	s17 =	sadd.s32 $0x1, s17  }
0x86: {  	s19 =	sand.u32 @!p0 $0x1, s12;
	s20 =	simm.s32 @!p1 $0x0;
	p1 =	sne.s32 s6, s17  }
.Ltmp0:
0x87: {  	s19 =	sadd.s32 @!p0 $0x3, s19;
	_ =	strace @!p0 $0x8000004D;
	(pc) =	sbr.rel @p1 .LBB2_2-.Ltmp0, $4  }
0x88: {  	_ =	swait.ge @!p0 [sflag:s19], $0x8000  }
0x89: {  	[sflag:s19] =	ssyncset.done @!p0 $0x0  }
0x8a: {  	s16 =	sadd.s32 s22, s16;
	s14 =	sadd.s32 s18, s14;
	[sflag:s19] =	ssyncadd.s32 @!p0 $0xFFFF8000  }
0x8b: {  	s15 =	sadd.s32 s18, s15;
	s12 =	sadd.s32 s20, s12;
	_ =	strace @!p0 $0x9000004D  }
0x8c: {  	s11 =	sadd.s32 $0x1, s11  }
0x8d: {  	s12 =	sand.u32 $0x1, s12;
	p0 =	sne.s32 s11, s9  }
.Ltmp1:
0x8e: {  	_ =	strace $0x8000004E;
	s12 =	sadd.s32 $0x3, s12;
	(pc) =	sbr.rel @p0 .LBB2_1-.Ltmp1, $4  }
0x8f: {  	_ =	swait.ge [sflag:s12], $0x8000  }
0x90: {  	[sflag:s12] =	ssyncset.done $0x0  }
0x91: {  	[sflag:s12] =	ssyncadd.s32 $0xFFFF8000  }
0x92: {  	_ =	strace $0x9000004E  }
0x93: {  	_ =	sfence.sel $0x180000  }
0x94: {  	[bflag:$0x0] =	sbarrier.arrive $0xFFFF  }
0x95: {  	p0 =	sne.s32 s2, $0x0;
	_ =	strace $0x90000047  }
0x96: {  	s0 =	sadd.s32 @!p0 $0x100000, s1;
	[bflag:$0x2] =	sbarrier.arrive $0xFFFF  }
0x97: {  	[sflag:s0] =	ssyncadd.tile.s32 @!p0 $0x1;
	_ =	shalt  }
.Lfunc_end2:
_tile_overlayer_lowered:
.L_overlay_start_2:
0x98: {  	(tag) =	ssettag $0x2  }
0x99: {  	s0 =	rddreg [dreg:$0x0];
	s2 =	stileid.u32  }
0x9a: {  	s1 =	rddreg [dreg:$0x1];
	p0 =	sne.s32 s2, $0x0  }
0x9b: {  	s3 =	rddreg [dreg:$0x2];
	[bflag:$0x3] =	sbarrier.arrive $0xFFFF;
	s2 =	simm.s32 @!p0 $0x1C01  }
0x9c: {  	[timem:s3], [sflag:s2] =	dma.local @!p0 [hbm:s0], s1  }
0x9d: {  	s0 =	simm.s32 @!p0 $0x1  }
0x9e: {  	_ =	swait.ge @!p0 [sflag:s0], s1  }
0x9f: {  	s1 =	ssub.s32 @!p0 $0x0, s1;
	[sflag:s0] =	ssyncset.done @!p0 $0x0  }
0xa0: {  	[sflag:s0] =	ssyncadd.s32 @!p0 s1  }
0xa1: {  	[bflag:$0x3] =	sbarrier.arrive $0xFFFF  }
0xa2: {  	_ =	shalt  }

</sc_bundles>
